<compile_context>
chip_gen: v7x
topology: tpu7x:2x2x1
jax: 0.10.2.dev20260603
libtpu: 0.0.44.dev20260713+nightly
codegen_flags: <defaults>
</compile_context>

<pallas_src>
import functools

import jax
import jax.numpy as jnp
from jax import lax
from jax.experimental import pallas as pl
from jax.experimental.pallas import tpu as pltpu
from jax.experimental.pallas import tpu_sc as plsc

BATCH = 16384
VOCAB = 1000000
DIM = 64

_INFO = plsc.get_sparse_core_info()
_NC, _NS = _INFO.num_cores, _INFO.num_subcores
_NW = _NC * _NS
_STRIPE = 31232
_WIN = 512
_NWIN = _STRIPE // _WIN
_SWEPT = 999936
_GRP = 32
_TRASH = BATCH

_MESH = plsc.VectorSubcoreMesh(core_axis_name="c", subcore_axis_name="s")


@functools.partial(
    pl.kernel,
    mesh=_MESH,
    out_type=jax.ShapeDtypeStruct((BATCH + 16, 2 * DIM), jnp.float32),
    scratch_types=[
        pltpu.VMEM((BATCH,), jnp.int32),
        pltpu.VMEM((BATCH + 16,), jnp.int32),
        pltpu.VMEM((BATCH + 16,), jnp.int32),
        pltpu.VMEM((2, DIM, _WIN), jnp.float32),
        pltpu.VMEM((_GRP, 2 * DIM), jnp.float32),
        pltpu.VMEM((_GRP,), jnp.int32),
        pltpu.VMEM((16,), jnp.int32),
        pltpu.VMEM((16,), jnp.int32),
        pltpu.VMEM((DIM, DIM), jnp.float32),
        pltpu.SemaphoreType.DMA,
        pltpu.SemaphoreType.DMA,
    ],
    compiler_params=pltpu.CompilerParams(needs_layout_passes=False),
)
def _sweep_gather(idx_hbm, tt_hbm, slab_hbm, inter_hbm,
                  idxall, mr, mb, chv, rowbuf, sidx, tr, tb, slabv,
                  sem, wsem):
    wid = lax.axis_index("s") * _NC + lax.axis_index("c")
    lo = wid * _STRIPE
    hi = jnp.where(wid == _NW - 1, jnp.int32(VOCAB), lo + _STRIPE)
    lanes = lax.iota(jnp.int32, 16)
    nwin = jnp.where(wid == _NW - 1, _NWIN + 1, _NWIN)

    def win_copy(k):
        ws = pl.multiple_of(lo + k * _WIN, _WIN)
        return pltpu.make_async_copy(
            tt_hbm.at[:, pl.ds(ws, _WIN)], chv.at[k & 1], wsem)

    win_copy(jnp.int32(0)).start()
    pltpu.sync_copy(idx_hbm, idxall)

    def scan(t, cnt):
        v = idxall[pl.ds(t * 16, 16)]
        m = (v >= lo) & (v < hi)
        pos = cnt + plsc.cumsum(m.astype(jnp.int32)) - 1
        plsc.store_scatter(mr, [pos], v, mask=m)
        plsc.store_scatter(mb, [pos], lanes + t * 16, mask=m)
        return cnt + plsc.all_reduce_population_count(m)[0]

    cnt = lax.fori_loop(0, BATCH // 16, scan, jnp.int32(0))
    plsc.store_scatter(mr, [cnt + lanes], jnp.full((16,), -1, jnp.int32))
    nvec = (cnt + 15) // 16

    def init_group():
        for q in range(_GRP // 16):
            sidx[pl.ds(q * 16, 16)] = lanes + jnp.int32(_TRASH)

    init_group()

    def flush(gsel_unused):
        pltpu.async_copy(rowbuf, inter_hbm.at[sidx], sem).wait()
        init_group()

    def extract_window(ws, buf, g):
        def per_vec(j, g):
            r16 = mr[pl.ds(j * 16, 16)]
            m = (r16 >= ws) & (r16 < ws + _WIN)
            n = plsc.all_reduce_population_count(m)[0]

            def matches(g):
                b16 = mb[pl.ds(j * 16, 16)]
                plsc.store_compressed(tr.at[pl.ds(0, 16)], r16, mask=m)
                plsc.store_compressed(tb.at[pl.ds(0, 16)], b16, mask=m)
                return lax.fori_loop(0, n, per_match, g)

            def per_match(i, g):
                riv = plsc.load_gather(tr, [jnp.full((16,), i, jnp.int32)])
                biv = plsc.load_gather(tb, [jnp.full((16,), i, jnp.int32)])
                col = riv - ws
                gi = g % _GRP
                for k in range(DIM // 16):
                    vals = plsc.load_gather(buf, [lanes + k * 16, col])
                    rowbuf[gi, pl.ds(k * 16, 16)] = vals
                plsc.store_scatter(
                    sidx, [jnp.full((16,), gi, jnp.int32)], biv,
                    mask=(lanes == 0))
                g = g + 1

                @pl.when(g % _GRP == 0)
                def _():
                    flush(0)

                return g

            return lax.cond(n > 0, matches, lambda g: g, g)

        return lax.fori_loop(0, nvec, per_vec, g)

    def per_window(k, g):
        ws = pl.multiple_of(lo + k * _WIN, _WIN)
        win_copy(k).wait()

        @pl.when(k + 1 < nwin)
        def _():
            win_copy(k + 1).start()

        return extract_window(ws, chv.at[k & 1], g)

    g = lax.fori_loop(0, nwin, per_window, jnp.int32(0))

    @pl.when(wid == _NW - 1)
    def _():
        pltpu.sync_copy(slab_hbm, slabv)
        extract_window(jnp.int32(_SWEPT), slabv.at[pl.ds(0, DIM)], g)

    flush(0)


def kernel(context, table, empty_context):
    idx = context.astype(jnp.int32)
    tt = table.T
    inter = _sweep_gather(idx, tt, tt[:, _SWEPT:])
    return inter[:BATCH, :DIM][:, None, :]

# --- scband reference (transcript-rebuilt; emitter-appended) ---
"""Pipeline reference for scband-context-drop-19636590477456 (READ-ONLY COPY).

The authoritative reference and input builder live on the scoring server;
editing this copy changes nothing except your own understanding.
"""

import jax, jax.numpy as jnp
import numpy as np

BATCH = 16384
VOCAB = 1000000
DIM = 64


def setup_inputs(seed: int = 0) -> dict:
    key = jax.random.key(seed)
    k1, k2 = jax.random.split(key)
    context = jax.random.randint(k1, (BATCH,), 0, VOCAB, dtype=jnp.int64 if jax.config.read('jax_enable_x64') else jnp.int32)
    # tokenizer.get_embeddding is modeled as a learned embedding table lookup
    table = jax.random.normal(k2, (VOCAB, DIM), dtype=jnp.float32)
    # empty_context parameter exists because cfg_prob > 0 (unused when use_cfg=False)
    empty_context = jnp.zeros((DIM,), dtype=jnp.float32)
    return {"context": context, "table": table, "empty_context": empty_context}


def reference(context, table, empty_context):
    # forward(context, train=True, batch_size=BATCH, tokenizer, use_cfg=False)
    # context is not None -> force_drop_ids=False; use_cfg=False branch:
    #   context = tokenizer.get_embeddding(context); context = context.unsqueeze(1)
    out = jnp.take(table, context, axis=0)  # embedding gather [B, D]
    out = out[:, None, :]  # unsqueeze(1) -> [B, 1, D]
    return out

if __name__ == "__main__":
    import jax
    _d = setup_inputs()
    print(jax.jit(kernel)(*tuple(_d.values())))

</pallas_src>

<mosaic_0001>
#map = affine_map<(d0, d1) -> (0)>
#map1 = affine_map<(d0, d1) -> (0, 0)>
module attributes {stable_mosaic.version = 14 : i64} {
  func.func @_sweep_gather(%arg0: i32, %arg1: i32, %arg2: memref<16384xi32, #tpu.memory_space<hbm>>, %arg3: memref<64x1000000xf32, #tpu.memory_space<hbm>>, %arg4: memref<64x64xf32, #tpu.memory_space<hbm>>, %arg5: memref<16400x128xf32, #tpu.memory_space<hbm>>, %arg6: memref<16384xi32, #tpu.memory_space<vmem>>, %arg7: memref<16400xi32, #tpu.memory_space<vmem>>, %arg8: memref<16400xi32, #tpu.memory_space<vmem>>, %arg9: memref<2x64x512xf32, #tpu.memory_space<vmem>>, %arg10: memref<32x128xf32, #tpu.memory_space<vmem>>, %arg11: memref<32xi32, #tpu.memory_space<vmem>>, %arg12: memref<16xi32, #tpu.memory_space<vmem>>, %arg13: memref<16xi32, #tpu.memory_space<vmem>>, %arg14: memref<64x64xf32, #tpu.memory_space<vmem>>, %arg15: memref<!tpu.dma_semaphore, #tpu.memory_space<semaphore_mem>>, %arg16: memref<!tpu.dma_semaphore, #tpu.memory_space<semaphore_mem>>) attributes {dimension_semantics = [#tpu.dimension_semantics<core_parallel>, #tpu.dimension_semantics<subcore_parallel>], iteration_bounds = array<i64: 2, 16>, scalar_prefetch = 0 : i64, scratch_operands = 11 : i64, tpu.core_type = #tpu.core_type<sc_vector_subcore>, window_params = [{transform_indices = #map}, {transform_indices = #map1}, {transform_indices = #map1}, {transform_indices = #map1}]} {
    %mul3A = arith.constant 2 : i32
    %mul3A_0 = arith.muli %arg1, %mul3A : i32
    %add3A = arith.addi %mul3A_0, %arg0 : i32
    %mul3A_1 = arith.constant 31232 : i32
    %mul3A_2 = arith.muli %add3A, %mul3A_1 : i32
    %eq3A = arith.constant 31 : i32
    %eq3A_3 = arith.cmpi eq, %add3A, %eq3A : i32
    %add3A_4 = arith.constant 31232 : i32
    %add3A_5 = arith.addi %mul3A_2, %add3A_4 : i32
    %jit3A = arith.constant 1000000 : i32
    %select_n3A = arith.select %eq3A_3, %jit3A, %add3A_5 : i32
    %iota3A = tpu.iota {dimensions = array<i32: 0>} : vector<16xi32>
    %eq3A_6 = arith.constant 31 : i32
    %eq3A_7 = arith.cmpi eq, %add3A, %eq3A_6 : i32
    %jit3A_8 = arith.constant 62 : i32
    %jit3A_9 = arith.constant 61 : i32
    %select_n3A_10 = arith.select %eq3A_7, %jit3A_8, %jit3A_9 : i32
    %mul3A_11 = arith.constant 0 : i32
    %mul3A_12 = arith.constant 512 : i32
    %mul3A_13 = arith.muli %mul3A_11, %mul3A_12 : i32
    %add3A_14 = arith.addi %mul3A_2, %mul3A_13 : i32
    %multiple_of3A = tpu.assume_multiple %add3A_14, 512 : i32
    %and3A = arith.constant 0 : i32
    %and3A_15 = arith.constant 1 : i32
    %and3A_16 = arith.andi %and3A, %and3A_15 : i32
    %dma_start3A = arith.constant 0 : i32
    %dma_start3A_17 = arith.constant 0 : i32
    %dma_start3A_18 = tpu.memref_slice %arg9[%and3A_16, %dma_start3A, %dma_start3A_17] : memref<2x64x512xf32, #tpu.memory_space<vmem>> -> memref<1x64x512xf32, #tpu.memory_space<vmem>>
    %dma_start3A_19 = tpu.memref_squeeze %dma_start3A_18 : memref<1x64x512xf32, #tpu.memory_space<vmem>> -> memref<64x512xf32, #tpu.memory_space<vmem>>
    %dma_start3A_20 = arith.constant 0 : i32
    %dma_start3A_21 = tpu.memref_slice %arg3[%dma_start3A_20, %multiple_of3A] : memref<64x1000000xf32, #tpu.memory_space<hbm>> -> memref<64x512xf32, #tpu.memory_space<hbm>>
    %dma_start3A_22 = arith.constant 0 : i32
    %dma_start3A_23 = arith.constant 0 : i32
    %dma_start3A_24 = tpu.memref_slice %arg9[%and3A_16, %dma_start3A_22, %dma_start3A_23] : memref<2x64x512xf32, #tpu.memory_space<vmem>> -> memref<1x64x512xf32, #tpu.memory_space<vmem>>
    %dma_start3A_25 = tpu.memref_squeeze %dma_start3A_24 : memref<1x64x512xf32, #tpu.memory_space<vmem>> -> memref<64x512xf32, #tpu.memory_space<vmem>>
    %dma_start3A_26 = arith.constant 0 : i32
    %dma_start3A_27 = tpu.memref_slice %arg3[%dma_start3A_26, %multiple_of3A] : memref<64x1000000xf32, #tpu.memory_space<hbm>> -> memref<64x512xf32, #tpu.memory_space<hbm>>
    tpu.enqueue_dma source(%dma_start3A_27 : memref<64x512xf32, #tpu.memory_space<hbm>>) target(%dma_start3A_25 : memref<64x512xf32, #tpu.memory_space<vmem>>) target_semaphore(%arg16 : memref<!tpu.dma_semaphore, #tpu.memory_space<semaphore_mem>>)
    "tpu.region"() ({
      %run_scoped3A = tpu.sem_alloc : memref<!tpu.dma_semaphore, #tpu.memory_space<semaphore_mem>>
      tpu.enqueue_dma source(%arg2 : memref<16384xi32, #tpu.memory_space<hbm>>) target(%arg6 : memref<16384xi32, #tpu.memory_space<vmem>>) target_semaphore(%run_scoped3A : memref<!tpu.dma_semaphore, #tpu.memory_space<semaphore_mem>>)
      tpu.wait_dma2 semaphore(%run_scoped3A : memref<!tpu.dma_semaphore, #tpu.memory_space<semaphore_mem>>) src(%arg2 : memref<16384xi32, #tpu.memory_space<hbm>>) dst(%arg6 : memref<16384xi32, #tpu.memory_space<vmem>>)
      tpu.yield
    }) : () -> ()
    %scan3A = arith.constant 0 : i32
    %scan3A_28 = arith.constant 0 : i32
    %scan3A_29 = arith.constant 1024 : i32
    %scan3A_30 = arith.addi %scan3A_28, %scan3A_29 : i32
    %scan3A_31 = arith.constant 1 : i32
    %scan3A_32 = scf.for %scan3A_96 = %scan3A_28 to %scan3A_30 step %scan3A_31 iter_args(%scan3A_97 = %scan3A) -> (i32)  : i32 {
      %mul3A_98 = arith.constant 16 : i32
      %mul3A_99 = arith.muli %scan3A_96, %mul3A_98 : i32
      %get3A = arith.index_cast %mul3A_99 : i32 to index
      %get3A_100 = tpu.vector_load %arg6[%get3A] {strides = array<i32>} : memref<16384xi32, #tpu.memory_space<vmem>>, vector<16xi32>,
      %ge3A = vector.broadcast %mul3A_2 : i32 to vector<16xi32>
      %ge3A_101 = arith.cmpi sge, %get3A_100, %ge3A : vector<16xi32>
      %lt3A = vector.broadcast %select_n3A : i32 to vector<16xi32>
      %lt3A_102 = arith.cmpi slt, %get3A_100, %lt3A : vector<16xi32>
      %and3A_103 = arith.andi %ge3A_101, %lt3A_102 : vector<16xi1>
      %convert_element_type3A_104 = arith.extui %and3A_103 : vector<16xi1> to vector<16xi32>
      %broadcast_in_dim3A_105 = arith.constant true
      %broadcast_in_dim3A_106 = vector.broadcast %broadcast_in_dim3A_105 : i1 to vector<16xi1>
      %masked_cumsum3A = tpu.scan <sum>, %convert_element_type3A_104 masked %broadcast_in_dim3A_106 : vector<16xi32>, vector<16xi1> -> vector<16xi32>
      %add3A_107 = vector.broadcast %scan3A_97 : i32 to vector<16xi32>
      %add3A_108 = arith.addi %add3A_107, %masked_cumsum3A : vector<16xi32>
      %sub3A_109 = arith.constant 1 : i32
      %sub3A_110 = vector.broadcast %sub3A_109 : i32 to vector<16xi32>
      %sub3A_111 = arith.subi %add3A_108, %sub3A_110 : vector<16xi32>
      tpu.vector_store_idx %arg7[%sub3A_111], %get3A_100 masked %and3A_103 : memref<16400xi32, #tpu.memory_space<vmem>>[vector<16xi32>], vector<16xi32>, vector<16xi1>
      %mul3A_112 = arith.constant 16 : i32
      %mul3A_113 = arith.muli %scan3A_96, %mul3A_112 : i32
      %add3A_114 = vector.broadcast %mul3A_113 : i32 to vector<16xi32>
      %add3A_115 = arith.addi %iota3A, %add3A_114 : vector<16xi32>
      tpu.vector_store_idx %arg8[%sub3A_111], %add3A_115 masked %and3A_103 : memref<16400xi32, #tpu.memory_space<vmem>>[vector<16xi32>], vector<16xi32>, vector<16xi1>
      %all_reduce_population_count3A = tpu.all_reduce %and3A_103 {dim = 0 : i64, kind = #tpu.reduction_kind<sum>} : vector<16xi1> -> vector<16xi32>
      %slice3A = vector.extract_strided_slice %all_reduce_population_count3A {offsets = [0], sizes = [1], strides = [1]} : vector<16xi32> to vector<1xi32>
      %squeeze3A = vector.extract %slice3A[0] : i32 from vector<1xi32>
      %add3A_116 = arith.addi %scan3A_97, %squeeze3A : i32
      scf.yield %add3A_116 : i32
    }
    %scan3A_33 = arith.constant 1024 : i32
    %add3A_34 = vector.broadcast %scan3A_32 : i32 to vector<16xi32>
    %add3A_35 = arith.addi %add3A_34, %iota3A : vector<16xi32>
    %broadcast_in_dim3A = arith.constant -1 : i32
    %broadcast_in_dim3A_36 = vector.broadcast %broadcast_in_dim3A : i32 to vector<16xi32>
    tpu.vector_store_idx %arg7[%add3A_35], %broadcast_in_dim3A_36 : memref<16400xi32, #tpu.memory_space<vmem>>[vector<16xi32>], vector<16xi32>,
    %add3A_37 = arith.constant 15 : i32
    %add3A_38 = arith.addi %scan3A_32, %add3A_37 : i32
    %jit3A_39 = arith.constant 16 : i32
    %div3A = arith.divsi %add3A_38, %jit3A_39 : i32
    %sign3A = arith.constant 0 : i32
    %sign3A_40 = arith.cmpi sgt, %add3A_38, %sign3A : i32
    %sign3A_41 = arith.extui %sign3A_40 : i1 to i32
    %sign3A_42 = arith.constant 0 : i32
    %sign3A_43 = arith.cmpi slt, %add3A_38, %sign3A_42 : i32
    %sign3A_44 = arith.extui %sign3A_43 : i1 to i32
    %sign3A_45 = arith.subi %sign3A_41, %sign3A_44 : i32
    %sign3A_46 = arith.constant 0 : i32
    %sign3A_47 = arith.cmpi sgt, %jit3A_39, %sign3A_46 : i32
    %sign3A_48 = arith.extui %sign3A_47 : i1 to i32
    %sign3A_49 = arith.constant 0 : i32
    %sign3A_50 = arith.cmpi slt, %jit3A_39, %sign3A_49 : i32
    %sign3A_51 = arith.extui %sign3A_50 : i1 to i32
    %sign3A_52 = arith.subi %sign3A_48, %sign3A_51 : i32
    %ne3A = arith.cmpi ne, %sign3A_45, %sign3A_52 : i32
    %rem3A = arith.remsi %add3A_38, %jit3A_39 : i32
    %ne3A_53 = arith.constant 0 : i32
    %ne3A_54 = arith.cmpi ne, %rem3A, %ne3A_53 : i32
    %and3A_55 = arith.andi %ne3A, %ne3A_54 : i1
    %sub3A = arith.constant 1 : i32
    %sub3A_56 = arith.subi %div3A, %sub3A : i32
    %select_n3A_57 = arith.select %and3A_55, %sub3A_56, %div3A : i32
    %add3A_58 = arith.constant 16384 : i32
    %add3A_59 = vector.broadcast %add3A_58 : i32 to vector<16xi32>
    %add3A_60 = arith.addi %iota3A, %add3A_59 : vector<16xi32>
    %swap3A = arith.constant 0 : index
    %swap3A_61 = tpu.vector_load %arg11[%swap3A] {strides = array<i32>} : memref<32xi32, #tpu.memory_space<vmem>>, vector<16xi32>,
    tpu.vector_store %arg11[%swap3A], %add3A_60 {strides = array<i32>} : memref<32xi32, #tpu.memory_space<vmem>>, vector<16xi32>,
    %add3A_62 = arith.constant 16384 : i32
    %add3A_63 = vector.broadcast %add3A_62 : i32 to vector<16xi32>
    %add3A_64 = arith.addi %iota3A, %add3A_63 : vector<16xi32>
    %swap3A_65 = arith.constant 16 : index
    %swap3A_66 = tpu.vector_load %arg11[%swap3A_65] {strides = array<i32>} : memref<32xi32, #tpu.memory_space<vmem>>, vector<16xi32>,
    tpu.vector_store %arg11[%swap3A_65], %add3A_64 {strides = array<i32>} : memref<32xi32, #tpu.memory_space<vmem>>, vector<16xi32>,
    %while3A = arith.constant 0 : i32
    %while3A_67 = arith.constant 0 : i32
    %while3A_68 = arith.subi %select_n3A_10, %while3A : i32
    %while3A_69 = arith.addi %while3A, %while3A_68 : i32
    %while3A_70 = arith.constant 1 : i32
    %while3A_71 = arith.divsi %while3A_68, %while3A_70 : i32
    %while3A_72 = arith.muli %while3A_71, %while3A_70 : i32
    %while3A_73 = arith.addi %while3A, %while3A_72 : i32
    %while3A_74 = arith.constant 1 : i32
    %while3A_75 = scf.for %while3A_96 = %while3A to %while3A_73 step %while3A_74 iter_args(%while3A_97 = %while3A_67) -> (i32)  : i32 {
      %mul3A_98 = arith.constant 512 : i32
      %mul3A_99 = arith.muli %while3A_96, %mul3A_98 : i32
      %add3A_100 = arith.addi %mul3A_2, %mul3A_99 : i32
      %multiple_of3A_101 = tpu.assume_multiple %add3A_100, 512 : i32
      %mul3A_102 = arith.constant 512 : i32
      %mul3A_103 = arith.muli %while3A_96, %mul3A_102 : i32
      %add3A_104 = arith.addi %mul3A_2, %mul3A_103 : i32
      %multiple_of3A_105 = tpu.assume_multiple %add3A_104, 512 : i32
      %and3A_106 = arith.constant 1 : i32
      %and3A_107 = arith.andi %while3A_96, %and3A_106 : i32
      %dma_wait3A_108 = arith.constant 0 : i32
      %dma_wait3A_109 = arith.constant 0 : i32
      %dma_wait3A_110 = tpu.memref_slice %arg9[%and3A_107, %dma_wait3A_108, %dma_wait3A_109] : memref<2x64x512xf32, #tpu.memory_space<vmem>> -> memref<1x64x512xf32, #tpu.memory_space<vmem>>
      %dma_wait3A_111 = tpu.memref_squeeze %dma_wait3A_110 : memref<1x64x512xf32, #tpu.memory_space<vmem>> -> memref<64x512xf32, #tpu.memory_space<vmem>>
      %dma_wait3A_112 = arith.constant 0 : i32
      %dma_wait3A_113 = tpu.memref_slice %arg3[%dma_wait3A_112, %multiple_of3A_105] : memref<64x1000000xf32, #tpu.memory_space<hbm>> -> memref<64x512xf32, #tpu.memory_space<hbm>>
      %dma_wait3A_114 = arith.constant 0 : i32
      %dma_wait3A_115 = arith.constant 0 : i32
      %dma_wait3A_116 = tpu.memref_slice %arg9[%and3A_107, %dma_wait3A_114, %dma_wait3A_115] : memref<2x64x512xf32, #tpu.memory_space<vmem>> -> memref<1x64x512xf32, #tpu.memory_space<vmem>>
      %dma_wait3A_117 = tpu.memref_squeeze %dma_wait3A_116 : memref<1x64x512xf32, #tpu.memory_space<vmem>> -> memref<64x512xf32, #tpu.memory_space<vmem>>
      %dma_wait3A_118 = arith.constant 0 : i32
      %dma_wait3A_119 = tpu.memref_slice %arg3[%dma_wait3A_118, %multiple_of3A_105] : memref<64x1000000xf32, #tpu.memory_space<hbm>> -> memref<64x512xf32, #tpu.memory_space<hbm>>
      tpu.wait_dma2 semaphore(%arg16 : memref<!tpu.dma_semaphore, #tpu.memory_space<semaphore_mem>>) src(%dma_wait3A_119 : memref<64x512xf32, #tpu.memory_space<hbm>>) dst(%dma_wait3A_117 : memref<64x512xf32, #tpu.memory_space<vmem>>)
      %add3A_120 = arith.constant 1 : i32
      %add3A_121 = arith.addi %while3A_96, %add3A_120 : i32
      %lt3A = arith.cmpi slt, %add3A_121, %select_n3A_10 : i32
      %convert_element_type3A_122 = arith.extui %lt3A : i1 to i32
      %cond3A_123 = arith.constant 0 : i32
      %cond3A_124 = arith.cmpi ne, %convert_element_type3A_122, %cond3A_123 : i32
      scf.if %cond3A_124 {
        %add3A_138 = arith.constant 1 : i32
        %add3A_139 = arith.addi %while3A_96, %add3A_138 : i32
        %mul3A_140 = arith.constant 512 : i32
        %mul3A_141 = arith.muli %add3A_139, %mul3A_140 : i32
        %add3A_142 = arith.addi %mul3A_2, %mul3A_141 : i32
        %multiple_of3A_143 = tpu.assume_multiple %add3A_142, 512 : i32
        %and3A_144 = arith.constant 1 : i32
        %and3A_145 = arith.andi %add3A_139, %and3A_144 : i32
        %dma_start3A_146 = arith.constant 0 : i32
        %dma_start3A_147 = arith.constant 0 : i32
        %dma_start3A_148 = tpu.memref_slice %arg9[%and3A_145, %dma_start3A_146, %dma_start3A_147] : memref<2x64x512xf32, #tpu.memory_space<vmem>> -> memref<1x64x512xf32, #tpu.memory_space<vmem>>
        %dma_start3A_149 = tpu.memref_squeeze %dma_start3A_148 : memref<1x64x512xf32, #tpu.memory_space<vmem>> -> memref<64x512xf32, #tpu.memory_space<vmem>>
        %dma_start3A_150 = arith.constant 0 : i32
        %dma_start3A_151 = tpu.memref_slice %arg3[%dma_start3A_150, %multiple_of3A_143] : memref<64x1000000xf32, #tpu.memory_space<hbm>> -> memref<64x512xf32, #tpu.memory_space<hbm>>
        %dma_start3A_152 = arith.constant 0 : i32
        %dma_start3A_153 = arith.constant 0 : i32
        %dma_start3A_154 = tpu.memref_slice %arg9[%and3A_145, %dma_start3A_152, %dma_start3A_153] : memref<2x64x512xf32, #tpu.memory_space<vmem>> -> memref<1x64x512xf32, #tpu.memory_space<vmem>>
        %dma_start3A_155 = tpu.memref_squeeze %dma_start3A_154 : memref<1x64x512xf32, #tpu.memory_space<vmem>> -> memref<64x512xf32, #tpu.memory_space<vmem>>
        %dma_start3A_156 = arith.constant 0 : i32
        %dma_start3A_157 = tpu.memref_slice %arg3[%dma_start3A_156, %multiple_of3A_143] : memref<64x1000000xf32, #tpu.memory_space<hbm>> -> memref<64x512xf32, #tpu.memory_space<hbm>>
        tpu.enqueue_dma source(%dma_start3A_157 : memref<64x512xf32, #tpu.memory_space<hbm>>) target(%dma_start3A_155 : memref<64x512xf32, #tpu.memory_space<vmem>>) target_semaphore(%arg16 : memref<!tpu.dma_semaphore, #tpu.memory_space<semaphore_mem>>)
      } else {
      }
      %and3A_125 = arith.constant 1 : i32
      %and3A_126 = arith.andi %while3A_96, %and3A_125 : i32
      %while3A_127 = arith.constant 0 : i32
      %while3A_128 = arith.subi %select_n3A_57, %while3A_127 : i32
      %while3A_129 = arith.addi %while3A_127, %while3A_128 : i32
      %while3A_130 = arith.constant 1 : i32
      %while3A_131 = arith.divsi %while3A_128, %while3A_130 : i32
      %while3A_132 = arith.muli %while3A_131, %while3A_130 : i32
      %while3A_133 = arith.addi %while3A_127, %while3A_132 : i32
      %while3A_134 = arith.constant 1 : i32
      %while3A_135 = scf.for %while3A_138 = %while3A_127 to %while3A_133 step %while3A_134 iter_args(%while3A_139 = %while3A_97) -> (i32)  : i32 {
        %mul3A_140 = arith.constant 16 : i32
        %mul3A_141 = arith.muli %while3A_138, %mul3A_140 : i32
        %get3A = arith.index_cast %mul3A_141 : i32 to index
        %get3A_142 = tpu.vector_load %arg7[%get3A] {strides = array<i32>} : memref<16400xi32, #tpu.memory_space<vmem>>, vector<16xi32>,
        %ge3A = vector.broadcast %multiple_of3A_101 : i32 to vector<16xi32>
        %ge3A_143 = arith.cmpi sge, %get3A_142, %ge3A : vector<16xi32>
        %add3A_144 = arith.constant 512 : i32
        %add3A_145 = arith.addi %multiple_of3A_101, %add3A_144 : i32
        %lt3A_146 = vector.broadcast %add3A_145 : i32 to vector<16xi32>
        %lt3A_147 = arith.cmpi slt, %get3A_142, %lt3A_146 : vector<16xi32>
        %and3A_148 = arith.andi %ge3A_143, %lt3A_147 : vector<16xi1>
        %all_reduce_population_count3A = tpu.all_reduce %and3A_148 {dim = 0 : i64, kind = #tpu.reduction_kind<sum>} : vector<16xi1> -> vector<16xi32>
        %slice3A = vector.extract_strided_slice %all_reduce_population_count3A {offsets = [0], sizes = [1], strides = [1]} : vector<16xi32> to vector<1xi32>
        %squeeze3A = vector.extract %slice3A[0] : i32 from vector<1xi32>
        %gt3A = arith.constant 0 : i32
        %gt3A_149 = arith.cmpi sgt, %squeeze3A, %gt3A : i32
        %convert_element_type3A_150 = arith.extui %gt3A_149 : i1 to i32
        %cond3A_151 = arith.constant 0 : i32
        %cond3A_152 = arith.cmpi ne, %convert_element_type3A_150, %cond3A_151 : i32
        %cond3A_153 = scf.if %cond3A_152 -> (i32) {
          %mul3A_154 = arith.constant 16 : i32
          %mul3A_155 = arith.muli %while3A_138, %mul3A_154 : i32
          %get3A_156 = arith.index_cast %mul3A_155 : i32 to index
          %get3A_157 = tpu.vector_load %arg8[%get3A_156] {strides = array<i32>} : memref<16400xi32, #tpu.memory_space<vmem>>, vector<16xi32>,
          %swap3A_158 = arith.constant 0 : index
          %swap3A_159 = tpu.vector_load %arg12[%swap3A_158] masked %and3A_148 {strides = array<i32>} : memref<16xi32, #tpu.memory_space<vmem>>, vector<16xi32>, vector<16xi1>
          tpu.vector_store %arg12[%swap3A_158], %get3A_142 masked %and3A_148 {strides = array<i32>} : memref<16xi32, #tpu.memory_space<vmem>>, vector<16xi32>, vector<16xi1>
          %swap3A_160 = arith.constant 0 : index
          %swap3A_161 = tpu.vector_load %arg13[%swap3A_160] masked %and3A_148 {strides = array<i32>} : memref<16xi32, #tpu.memory_space<vmem>>, vector<16xi32>, vector<16xi1>
          tpu.vector_store %arg13[%swap3A_160], %get3A_157 masked %and3A_148 {strides = array<i32>} : memref<16xi32, #tpu.memory_space<vmem>>, vector<16xi32>, vector<16xi1>
          %while3A_162 = arith.constant 0 : i32
          %while3A_163 = arith.subi %squeeze3A, %while3A_162 : i32
          %while3A_164 = arith.addi %while3A_162, %while3A_163 : i32
          %while3A_165 = arith.constant 1 : i32
          %while3A_166 = arith.divsi %while3A_163, %while3A_165 : i32
          %while3A_167 = arith.muli %while3A_166, %while3A_165 : i32
          %while3A_168 = arith.addi %while3A_162, %while3A_167 : i32
          %while3A_169 = arith.constant 1 : i32
          %while3A_170 = scf.for %while3A_173 = %while3A_162 to %while3A_168 step %while3A_169 iter_args(%while3A_174 = %while3A_139) -> (i32)  : i32 {
            %broadcast_in_dim3A_175 = vector.broadcast %while3A_173 : i32 to vector<16xi32>
            %gather3A = tpu.vector_load_idx %arg12[%broadcast_in_dim3A_175] : memref<16xi32, #tpu.memory_space<vmem>>[vector<16xi32>], vector<16xi32>,
            %broadcast_in_dim3A_176 = vector.broadcast %while3A_173 : i32 to vector<16xi32>
            %gather3A_177 = tpu.vector_load_idx %arg13[%broadcast_in_dim3A_176] : memref<16xi32, #tpu.memory_space<vmem>>[vector<16xi32>], vector<16xi32>,
            %sub3A_178 = vector.broadcast %multiple_of3A_101 : i32 to vector<16xi32>
            %sub3A_179 = arith.subi %gather3A, %sub3A_178 : vector<16xi32>
            %jit3A_180 = arith.constant 32 : i32
            %eq3A_181 = arith.constant 0 : i32
            %eq3A_182 = arith.cmpi eq, %jit3A_180, %eq3A_181 : i32
            %jit3A_183 = arith.constant 1 : i32
            %select_n3A_184 = arith.select %eq3A_182, %jit3A_183, %jit3A_180 : i32
            %rem3A_185 = arith.remsi %while3A_174, %select_n3A_184 : i32
            %ne3A_186 = arith.constant 0 : i32
            %ne3A_187 = arith.cmpi ne, %rem3A_185, %ne3A_186 : i32
            %lt3A_188 = arith.constant 0 : i32
            %lt3A_189 = arith.cmpi slt, %rem3A_185, %lt3A_188 : i32
            %lt3A_190 = arith.constant 0 : i32
            %lt3A_191 = arith.cmpi slt, %select_n3A_184, %lt3A_190 : i32
            %ne3A_192 = arith.xori %lt3A_189, %lt3A_191 : i1
            %and3A_193 = arith.andi %ne3A_192, %ne3A_187 : i1
            %add3A_194 = arith.addi %rem3A_185, %select_n3A_184 : i32
            %select_n3A_195 = arith.select %and3A_193, %add3A_194, %rem3A_185 : i32
            %add3A_196 = arith.constant 0 : i32
            %add3A_197 = vector.broadcast %add3A_196 : i32 to vector<16xi32>
            %add3A_198 = arith.addi %iota3A, %add3A_197 : vector<16xi32>
            %gather3A_199 = arith.constant 0 : i32
            %gather3A_200 = arith.constant 0 : i32
            %gather3A_201 = tpu.memref_slice %arg9[%and3A_126, %gather3A_199, %gather3A_200] : memref<2x64x512xf32, #tpu.memory_space<vmem>> -> memref<1x64x512xf32, #tpu.memory_space<vmem>>
            %gather3A_202 = tpu.memref_squeeze %gather3A_201 : memref<1x64x512xf32, #tpu.memory_space<vmem>> -> memref<64x512xf32, #tpu.memory_space<vmem>>
            %gather3A_203 = tpu.vector_load_idx %gather3A_202[%add3A_198, %sub3A_179] : memref<64x512xf32, #tpu.memory_space<vmem>>[vector<16xi32>, vector<16xi32>], vector<16xf32>,
            %swap3A_204 = arith.index_cast %select_n3A_195 : i32 to index
            %swap3A_205 = arith.constant 0 : index
            %swap3A_206 = tpu.vector_load %arg10[%swap3A_204, %swap3A_205] {strides = array<i32>} : memref<32x128xf32, #tpu.memory_space<vmem>>, vector<16xf32>,
            tpu.vector_store %arg10[%swap3A_204, %swap3A_205], %gather3A_203 {strides = array<i32>} : memref<32x128xf32, #tpu.memory_space<vmem>>, vector<16xf32>,
            %add3A_207 = arith.constant 16 : i32
            %add3A_208 = vector.broadcast %add3A_207 : i32 to vector<16xi32>
            %add3A_209 = arith.addi %iota3A, %add3A_208 : vector<16xi32>
            %gather3A_210 = arith.constant 0 : i32
            %gather3A_211 = arith.constant 0 : i32
            %gather3A_212 = tpu.memref_slice %arg9[%and3A_126, %gather3A_210, %gather3A_211] : memref<2x64x512xf32, #tpu.memory_space<vmem>> -> memref<1x64x512xf32, #tpu.memory_space<vmem>>
            %gather3A_213 = tpu.memref_squeeze %gather3A_212 : memref<1x64x512xf32, #tpu.memory_space<vmem>> -> memref<64x512xf32, #tpu.memory_space<vmem>>
            %gather3A_214 = tpu.vector_load_idx %gather3A_213[%add3A_209, %sub3A_179] : memref<64x512xf32, #tpu.memory_space<vmem>>[vector<16xi32>, vector<16xi32>], vector<16xf32>,
            %swap3A_215 = arith.index_cast %select_n3A_195 : i32 to index
            %swap3A_216 = arith.constant 16 : index
            %swap3A_217 = tpu.vector_load %arg10[%swap3A_215, %swap3A_216] {strides = array<i32>} : memref<32x128xf32, #tpu.memory_space<vmem>>, vector<16xf32>,
            tpu.vector_store %arg10[%swap3A_215, %swap3A_216], %gather3A_214 {strides = array<i32>} : memref<32x128xf32, #tpu.memory_space<vmem>>, vector<16xf32>,
            %add3A_218 = arith.constant 32 : i32
            %add3A_219 = vector.broadcast %add3A_218 : i32 to vector<16xi32>
            %add3A_220 = arith.addi %iota3A, %add3A_219 : vector<16xi32>
            %gather3A_221 = arith.constant 0 : i32
            %gather3A_222 = arith.constant 0 : i32
            %gather3A_223 = tpu.memref_slice %arg9[%and3A_126, %gather3A_221, %gather3A_222] : memref<2x64x512xf32, #tpu.memory_space<vmem>> -> memref<1x64x512xf32, #tpu.memory_space<vmem>>
            %gather3A_224 = tpu.memref_squeeze %gather3A_223 : memref<1x64x512xf32, #tpu.memory_space<vmem>> -> memref<64x512xf32, #tpu.memory_space<vmem>>
            %gather3A_225 = tpu.vector_load_idx %gather3A_224[%add3A_220, %sub3A_179] : memref<64x512xf32, #tpu.memory_space<vmem>>[vector<16xi32>, vector<16xi32>], vector<16xf32>,
            %swap3A_226 = arith.index_cast %select_n3A_195 : i32 to index
            %swap3A_227 = arith.constant 32 : index
            %swap3A_228 = tpu.vector_load %arg10[%swap3A_226, %swap3A_227] {strides = array<i32>} : memref<32x128xf32, #tpu.memory_space<vmem>>, vector<16xf32>,
            tpu.vector_store %arg10[%swap3A_226, %swap3A_227], %gather3A_225 {strides = array<i32>} : memref<32x128xf32, #tpu.memory_space<vmem>>, vector<16xf32>,
            %add3A_229 = arith.constant 48 : i32
            %add3A_230 = vector.broadcast %add3A_229 : i32 to vector<16xi32>
            %add3A_231 = arith.addi %iota3A, %add3A_230 : vector<16xi32>
            %gather3A_232 = arith.constant 0 : i32
            %gather3A_233 = arith.constant 0 : i32
            %gather3A_234 = tpu.memref_slice %arg9[%and3A_126, %gather3A_232, %gather3A_233] : memref<2x64x512xf32, #tpu.memory_space<vmem>> -> memref<1x64x512xf32, #tpu.memory_space<vmem>>
            %gather3A_235 = tpu.memref_squeeze %gather3A_234 : memref<1x64x512xf32, #tpu.memory_space<vmem>> -> memref<64x512xf32, #tpu.memory_space<vmem>>
            %gather3A_236 = tpu.vector_load_idx %gather3A_235[%add3A_231, %sub3A_179] : memref<64x512xf32, #tpu.memory_space<vmem>>[vector<16xi32>, vector<16xi32>], vector<16xf32>,
            %swap3A_237 = arith.index_cast %select_n3A_195 : i32 to index
            %swap3A_238 = arith.constant 48 : index
            %swap3A_239 = tpu.vector_load %arg10[%swap3A_237, %swap3A_238] {strides = array<i32>} : memref<32x128xf32, #tpu.memory_space<vmem>>, vector<16xf32>,
            tpu.vector_store %arg10[%swap3A_237, %swap3A_238], %gather3A_236 {strides = array<i32>} : memref<32x128xf32, #tpu.memory_space<vmem>>, vector<16xf32>,
            %broadcast_in_dim3A_240 = vector.broadcast %select_n3A_195 : i32 to vector<16xi32>
            %eq3A_241 = arith.constant 0 : i32
            %eq3A_242 = vector.broadcast %eq3A_241 : i32 to vector<16xi32>
            %eq3A_243 = arith.cmpi eq, %iota3A, %eq3A_242 : vector<16xi32>
            tpu.vector_store_idx %arg11[%broadcast_in_dim3A_240], %gather3A_177 masked %eq3A_243 : memref<32xi32, #tpu.memory_space<vmem>>[vector<16xi32>], vector<16xi32>, vector<16xi1>
            %add3A_244 = arith.constant 1 : i32
            %add3A_245 = arith.addi %while3A_174, %add3A_244 : i32
            %jit3A_246 = arith.constant 32 : i32
            %eq3A_247 = arith.constant 0 : i32
            %eq3A_248 = arith.cmpi eq, %jit3A_246, %eq3A_247 : i32
            %jit3A_249 = arith.constant 1 : i32
            %select_n3A_250 = arith.select %eq3A_248, %jit3A_249, %jit3A_246 : i32
            %rem3A_251 = arith.remsi %add3A_245, %select_n3A_250 : i32
            %ne3A_252 = arith.constant 0 : i32
            %ne3A_253 = arith.cmpi ne, %rem3A_251, %ne3A_252 : i32
            %lt3A_254 = arith.constant 0 : i32
            %lt3A_255 = arith.cmpi slt, %rem3A_251, %lt3A_254 : i32
            %lt3A_256 = arith.constant 0 : i32
            %lt3A_257 = arith.cmpi slt, %select_n3A_250, %lt3A_256 : i32
            %ne3A_258 = arith.xori %lt3A_255, %lt3A_257 : i1
            %and3A_259 = arith.andi %ne3A_258, %ne3A_253 : i1
            %add3A_260 = arith.addi %rem3A_251, %select_n3A_250 : i32
            %select_n3A_261 = arith.select %and3A_259, %add3A_260, %rem3A_251 : i32
            %eq3A_262 = arith.constant 0 : i32
            %eq3A_263 = arith.cmpi eq, %select_n3A_261, %eq3A_262 : i32
            %convert_element_type3A_264 = arith.extui %eq3A_263 : i1 to i32
            %cond3A_265 = arith.constant 0 : i32
            %cond3A_266 = arith.cmpi ne, %convert_element_type3A_264, %cond3A_265 : i32
            scf.if %cond3A_266 {
              %dma_start3A_267 = arith.constant 0 : i32
              %dma_start3A_268 = arith.constant 0 : i32
              %dma_start3A_269 = tpu.memref_slice %arg5[%dma_start3A_267, %dma_start3A_268] : memref<16400x128xf32, #tpu.memory_space<hbm>> -> memref<16400x128xf32, #tpu.memory_space<hbm>>
              tpu.enqueue_indirect_dma source(%arg10 : memref<32x128xf32, #tpu.memory_space<vmem>>) target(%dma_start3A_269 : memref<16400x128xf32, #tpu.memory_space<hbm>>) offsets(%arg11 : memref<32xi32, #tpu.memory_space<vmem>>) semaphore(%arg15 : memref<!tpu.dma_semaphore, #tpu.memory_space<semaphore_mem>>)
              %dma_wait3A_270 = arith.constant 0 : i32
              %dma_wait3A_271 = arith.constant 0 : i32
              %dma_wait3A_272 = tpu.memref_slice %arg5[%dma_wait3A_270, %dma_wait3A_271] : memref<16400x128xf32, #tpu.memory_space<hbm>> -> memref<16400x128xf32, #tpu.memory_space<hbm>>
              tpu.wait_indirect_dma semaphore(%arg15 : memref<!tpu.dma_semaphore, #tpu.memory_space<semaphore_mem>>) src(%arg10 : memref<32x128xf32, #tpu.memory_space<vmem>>) dst(%dma_wait3A_272 : memref<16400x128xf32, #tpu.memory_space<hbm>>)
              %add3A_273 = arith.constant 16384 : i32
              %add3A_274 = vector.broadcast %add3A_273 : i32 to vector<16xi32>
              %add3A_275 = arith.addi %iota3A, %add3A_274 : vector<16xi32>
              %swap3A_276 = arith.constant 0 : index
              %swap3A_277 = tpu.vector_load %arg11[%swap3A_276] {strides = array<i32>} : memref<32xi32, #tpu.memory_space<vmem>>, vector<16xi32>,
              tpu.vector_store %arg11[%swap3A_276], %add3A_275 {strides = array<i32>} : memref<32xi32, #tpu.memory_space<vmem>>, vector<16xi32>,
              %add3A_278 = arith.constant 16384 : i32
              %add3A_279 = vector.broadcast %add3A_278 : i32 to vector<16xi32>
              %add3A_280 = arith.addi %iota3A, %add3A_279 : vector<16xi32>
              %swap3A_281 = arith.constant 16 : index
              %swap3A_282 = tpu.vector_load %arg11[%swap3A_281] {strides = array<i32>} : memref<32xi32, #tpu.memory_space<vmem>>, vector<16xi32>,
              tpu.vector_store %arg11[%swap3A_281], %add3A_280 {strides = array<i32>} : memref<32xi32, #tpu.memory_space<vmem>>, vector<16xi32>,
            } else {
            }
            scf.yield %add3A_245 : i32
          }
          %while3A_171 = arith.constant 1 : i32
          %while3A_172 = scf.for %while3A_173 = %while3A_168 to %while3A_164 step %while3A_171 iter_args(%while3A_174 = %while3A_170) -> (i32)  : i32 {
            %broadcast_in_dim3A_175 = vector.broadcast %while3A_173 : i32 to vector<16xi32>
            %gather3A = tpu.vector_load_idx %arg12[%broadcast_in_dim3A_175] : memref<16xi32, #tpu.memory_space<vmem>>[vector<16xi32>], vector<16xi32>,
            %broadcast_in_dim3A_176 = vector.broadcast %while3A_173 : i32 to vector<16xi32>
            %gather3A_177 = tpu.vector_load_idx %arg13[%broadcast_in_dim3A_176] : memref<16xi32, #tpu.memory_space<vmem>>[vector<16xi32>], vector<16xi32>,
            %sub3A_178 = vector.broadcast %multiple_of3A_101 : i32 to vector<16xi32>
            %sub3A_179 = arith.subi %gather3A, %sub3A_178 : vector<16xi32>
            %jit3A_180 = arith.constant 32 : i32
            %eq3A_181 = arith.constant 0 : i32
            %eq3A_182 = arith.cmpi eq, %jit3A_180, %eq3A_181 : i32
            %jit3A_183 = arith.constant 1 : i32
            %select_n3A_184 = arith.select %eq3A_182, %jit3A_183, %jit3A_180 : i32
            %rem3A_185 = arith.remsi %while3A_174, %select_n3A_184 : i32
            %ne3A_186 = arith.constant 0 : i32
            %ne3A_187 = arith.cmpi ne, %rem3A_185, %ne3A_186 : i32
            %lt3A_188 = arith.constant 0 : i32
            %lt3A_189 = arith.cmpi slt, %rem3A_185, %lt3A_188 : i32
            %lt3A_190 = arith.constant 0 : i32
            %lt3A_191 = arith.cmpi slt, %select_n3A_184, %lt3A_190 : i32
            %ne3A_192 = arith.xori %lt3A_189, %lt3A_191 : i1
            %and3A_193 = arith.andi %ne3A_192, %ne3A_187 : i1
            %add3A_194 = arith.addi %rem3A_185, %select_n3A_184 : i32
            %select_n3A_195 = arith.select %and3A_193, %add3A_194, %rem3A_185 : i32
            %add3A_196 = arith.constant 0 : i32
            %add3A_197 = vector.broadcast %add3A_196 : i32 to vector<16xi32>
            %add3A_198 = arith.addi %iota3A, %add3A_197 : vector<16xi32>
            %gather3A_199 = arith.constant 0 : i32
            %gather3A_200 = arith.constant 0 : i32
            %gather3A_201 = tpu.memref_slice %arg9[%and3A_126, %gather3A_199, %gather3A_200] : memref<2x64x512xf32, #tpu.memory_space<vmem>> -> memref<1x64x512xf32, #tpu.memory_space<vmem>>
            %gather3A_202 = tpu.memref_squeeze %gather3A_201 : memref<1x64x512xf32, #tpu.memory_space<vmem>> -> memref<64x512xf32, #tpu.memory_space<vmem>>
            %gather3A_203 = tpu.vector_load_idx %gather3A_202[%add3A_198, %sub3A_179] : memref<64x512xf32, #tpu.memory_space<vmem>>[vector<16xi32>, vector<16xi32>], vector<16xf32>,
            %swap3A_204 = arith.index_cast %select_n3A_195 : i32 to index
            %swap3A_205 = arith.constant 0 : index
            %swap3A_206 = tpu.vector_load %arg10[%swap3A_204, %swap3A_205] {strides = array<i32>} : memref<32x128xf32, #tpu.memory_space<vmem>>, vector<16xf32>,
            tpu.vector_store %arg10[%swap3A_204, %swap3A_205], %gather3A_203 {strides = array<i32>} : memref<32x128xf32, #tpu.memory_space<vmem>>, vector<16xf32>,
            %add3A_207 = arith.constant 16 : i32
            %add3A_208 = vector.broadcast %add3A_207 : i32 to vector<16xi32>
            %add3A_209 = arith.addi %iota3A, %add3A_208 : vector<16xi32>
            %gather3A_210 = arith.constant 0 : i32
            %gather3A_211 = arith.constant 0 : i32
            %gather3A_212 = tpu.memref_slice %arg9[%and3A_126, %gather3A_210, %gather3A_211] : memref<2x64x512xf32, #tpu.memory_space<vmem>> -> memref<1x64x512xf32, #tpu.memory_space<vmem>>
            %gather3A_213 = tpu.memref_squeeze %gather3A_212 : memref<1x64x512xf32, #tpu.memory_space<vmem>> -> memref<64x512xf32, #tpu.memory_space<vmem>>
            %gather3A_214 = tpu.vector_load_idx %gather3A_213[%add3A_209, %sub3A_179] : memref<64x512xf32, #tpu.memory_space<vmem>>[vector<16xi32>, vector<16xi32>], vector<16xf32>,
            %swap3A_215 = arith.index_cast %select_n3A_195 : i32 to index
            %swap3A_216 = arith.constant 16 : index
            %swap3A_217 = tpu.vector_load %arg10[%swap3A_215, %swap3A_216] {strides = array<i32>} : memref<32x128xf32, #tpu.memory_space<vmem>>, vector<16xf32>,
            tpu.vector_store %arg10[%swap3A_215, %swap3A_216], %gather3A_214 {strides = array<i32>} : memref<32x128xf32, #tpu.memory_space<vmem>>, vector<16xf32>,
            %add3A_218 = arith.constant 32 : i32
            %add3A_219 = vector.broadcast %add3A_218 : i32 to vector<16xi32>
            %add3A_220 = arith.addi %iota3A, %add3A_219 : vector<16xi32>
            %gather3A_221 = arith.constant 0 : i32
            %gather3A_222 = arith.constant 0 : i32
            %gather3A_223 = tpu.memref_slice %arg9[%and3A_126, %gather3A_221, %gather3A_222] : memref<2x64x512xf32, #tpu.memory_space<vmem>> -> memref<1x64x512xf32, #tpu.memory_space<vmem>>
            %gather3A_224 = tpu.memref_squeeze %gather3A_223 : memref<1x64x512xf32, #tpu.memory_space<vmem>> -> memref<64x512xf32, #tpu.memory_space<vmem>>
            %gather3A_225 = tpu.vector_load_idx %gather3A_224[%add3A_220, %sub3A_179] : memref<64x512xf32, #tpu.memory_space<vmem>>[vector<16xi32>, vector<16xi32>], vector<16xf32>,
            %swap3A_226 = arith.index_cast %select_n3A_195 : i32 to index
            %swap3A_227 = arith.constant 32 : index
            %swap3A_228 = tpu.vector_load %arg10[%swap3A_226, %swap3A_227] {strides = array<i32>} : memref<32x128xf32, #tpu.memory_space<vmem>>, vector<16xf32>,
            tpu.vector_store %arg10[%swap3A_226, %swap3A_227], %gather3A_225 {strides = array<i32>} : memref<32x128xf32, #tpu.memory_space<vmem>>, vector<16xf32>,
            %add3A_229 = arith.constant 48 : i32
            %add3A_230 = vector.broadcast %add3A_229 : i32 to vector<16xi32>
            %add3A_231 = arith.addi %iota3A, %add3A_230 : vector<16xi32>
            %gather3A_232 = arith.constant 0 : i32
            %gather3A_233 = arith.constant 0 : i32
            %gather3A_234 = tpu.memref_slice %arg9[%and3A_126, %gather3A_232, %gather3A_233] : memref<2x64x512xf32, #tpu.memory_space<vmem>> -> memref<1x64x512xf32, #tpu.memory_space<vmem>>
            %gather3A_235 = tpu.memref_squeeze %gather3A_234 : memref<1x64x512xf32, #tpu.memory_space<vmem>> -> memref<64x512xf32, #tpu.memory_space<vmem>>
            %gather3A_236 = tpu.vector_load_idx %gather3A_235[%add3A_231, %sub3A_179] : memref<64x512xf32, #tpu.memory_space<vmem>>[vector<16xi32>, vector<16xi32>], vector<16xf32>,
            %swap3A_237 = arith.index_cast %select_n3A_195 : i32 to index
            %swap3A_238 = arith.constant 48 : index
            %swap3A_239 = tpu.vector_load %arg10[%swap3A_237, %swap3A_238] {strides = array<i32>} : memref<32x128xf32, #tpu.memory_space<vmem>>, vector<16xf32>,
            tpu.vector_store %arg10[%swap3A_237, %swap3A_238], %gather3A_236 {strides = array<i32>} : memref<32x128xf32, #tpu.memory_space<vmem>>, vector<16xf32>,
            %broadcast_in_dim3A_240 = vector.broadcast %select_n3A_195 : i32 to vector<16xi32>
            %eq3A_241 = arith.constant 0 : i32
            %eq3A_242 = vector.broadcast %eq3A_241 : i32 to vector<16xi32>
            %eq3A_243 = arith.cmpi eq, %iota3A, %eq3A_242 : vector<16xi32>
            tpu.vector_store_idx %arg11[%broadcast_in_dim3A_240], %gather3A_177 masked %eq3A_243 : memref<32xi32, #tpu.memory_space<vmem>>[vector<16xi32>], vector<16xi32>, vector<16xi1>
            %add3A_244 = arith.constant 1 : i32
            %add3A_245 = arith.addi %while3A_174, %add3A_244 : i32
            %jit3A_246 = arith.constant 32 : i32
            %eq3A_247 = arith.constant 0 : i32
            %eq3A_248 = arith.cmpi eq, %jit3A_246, %eq3A_247 : i32
            %jit3A_249 = arith.constant 1 : i32
            %select_n3A_250 = arith.select %eq3A_248, %jit3A_249, %jit3A_246 : i32
            %rem3A_251 = arith.remsi %add3A_245, %select_n3A_250 : i32
            %ne3A_252 = arith.constant 0 : i32
            %ne3A_253 = arith.cmpi ne, %rem3A_251, %ne3A_252 : i32
            %lt3A_254 = arith.constant 0 : i32
            %lt3A_255 = arith.cmpi slt, %rem3A_251, %lt3A_254 : i32
            %lt3A_256 = arith.constant 0 : i32
            %lt3A_257 = arith.cmpi slt, %select_n3A_250, %lt3A_256 : i32
            %ne3A_258 = arith.xori %lt3A_255, %lt3A_257 : i1
            %and3A_259 = arith.andi %ne3A_258, %ne3A_253 : i1
            %add3A_260 = arith.addi %rem3A_251, %select_n3A_250 : i32
            %select_n3A_261 = arith.select %and3A_259, %add3A_260, %rem3A_251 : i32
            %eq3A_262 = arith.constant 0 : i32
            %eq3A_263 = arith.cmpi eq, %select_n3A_261, %eq3A_262 : i32
            %convert_element_type3A_264 = arith.extui %eq3A_263 : i1 to i32
            %cond3A_265 = arith.constant 0 : i32
            %cond3A_266 = arith.cmpi ne, %convert_element_type3A_264, %cond3A_265 : i32
            scf.if %cond3A_266 {
              %dma_start3A_267 = arith.constant 0 : i32
              %dma_start3A_268 = arith.constant 0 : i32
              %dma_start3A_269 = tpu.memref_slice %arg5[%dma_start3A_267, %dma_start3A_268] : memref<16400x128xf32, #tpu.memory_space<hbm>> -> memref<16400x128xf32, #tpu.memory_space<hbm>>
              tpu.enqueue_indirect_dma source(%arg10 : memref<32x128xf32, #tpu.memory_space<vmem>>) target(%dma_start3A_269 : memref<16400x128xf32, #tpu.memory_space<hbm>>) offsets(%arg11 : memref<32xi32, #tpu.memory_space<vmem>>) semaphore(%arg15 : memref<!tpu.dma_semaphore, #tpu.memory_space<semaphore_mem>>)
              %dma_wait3A_270 = arith.constant 0 : i32
              %dma_wait3A_271 = arith.constant 0 : i32
              %dma_wait3A_272 = tpu.memref_slice %arg5[%dma_wait3A_270, %dma_wait3A_271] : memref<16400x128xf32, #tpu.memory_space<hbm>> -> memref<16400x128xf32, #tpu.memory_space<hbm>>
              tpu.wait_indirect_dma semaphore(%arg15 : memref<!tpu.dma_semaphore, #tpu.memory_space<semaphore_mem>>) src(%arg10 : memref<32x128xf32, #tpu.memory_space<vmem>>) dst(%dma_wait3A_272 : memref<16400x128xf32, #tpu.memory_space<hbm>>)
              %add3A_273 = arith.constant 16384 : i32
              %add3A_274 = vector.broadcast %add3A_273 : i32 to vector<16xi32>
              %add3A_275 = arith.addi %iota3A, %add3A_274 : vector<16xi32>
              %swap3A_276 = arith.constant 0 : index
              %swap3A_277 = tpu.vector_load %arg11[%swap3A_276] {strides = array<i32>} : memref<32xi32, #tpu.memory_space<vmem>>, vector<16xi32>,
              tpu.vector_store %arg11[%swap3A_276], %add3A_275 {strides = array<i32>} : memref<32xi32, #tpu.memory_space<vmem>>, vector<16xi32>,
              %add3A_278 = arith.constant 16384 : i32
              %add3A_279 = vector.broadcast %add3A_278 : i32 to vector<16xi32>
              %add3A_280 = arith.addi %iota3A, %add3A_279 : vector<16xi32>
              %swap3A_281 = arith.constant 16 : index
              %swap3A_282 = tpu.vector_load %arg11[%swap3A_281] {strides = array<i32>} : memref<32xi32, #tpu.memory_space<vmem>>, vector<16xi32>,
              tpu.vector_store %arg11[%swap3A_281], %add3A_280 {strides = array<i32>} : memref<32xi32, #tpu.memory_space<vmem>>, vector<16xi32>,
            } else {
            }
            scf.yield %add3A_245 : i32
          }
          scf.yield %while3A_172 : i32
        } else {
          scf.yield %while3A_139 : i32
        }
        scf.yield %cond3A_153 : i32
      }
      %while3A_136 = arith.constant 1 : i32
      %while3A_137 = scf.for %while3A_138 = %while3A_133 to %while3A_129 step %while3A_136 iter_args(%while3A_139 = %while3A_135) -> (i32)  : i32 {
        %mul3A_140 = arith.constant 16 : i32
        %mul3A_141 = arith.muli %while3A_138, %mul3A_140 : i32
        %get3A = arith.index_cast %mul3A_141 : i32 to index
        %get3A_142 = tpu.vector_load %arg7[%get3A] {strides = array<i32>} : memref<16400xi32, #tpu.memory_space<vmem>>, vector<16xi32>,
        %ge3A = vector.broadcast %multiple_of3A_101 : i32 to vector<16xi32>
        %ge3A_143 = arith.cmpi sge, %get3A_142, %ge3A : vector<16xi32>
        %add3A_144 = arith.constant 512 : i32
        %add3A_145 = arith.addi %multiple_of3A_101, %add3A_144 : i32
        %lt3A_146 = vector.broadcast %add3A_145 : i32 to vector<16xi32>
        %lt3A_147 = arith.cmpi slt, %get3A_142, %lt3A_146 : vector<16xi32>
        %and3A_148 = arith.andi %ge3A_143, %lt3A_147 : vector<16xi1>
        %all_reduce_population_count3A = tpu.all_reduce %and3A_148 {dim = 0 : i64, kind = #tpu.reduction_kind<sum>} : vector<16xi1> -> vector<16xi32>
        %slice3A = vector.extract_strided_slice %all_reduce_population_count3A {offsets = [0], sizes = [1], strides = [1]} : vector<16xi32> to vector<1xi32>
        %squeeze3A = vector.extract %slice3A[0] : i32 from vector<1xi32>
        %gt3A = arith.constant 0 : i32
        %gt3A_149 = arith.cmpi sgt, %squeeze3A, %gt3A : i32
        %convert_element_type3A_150 = arith.extui %gt3A_149 : i1 to i32
        %cond3A_151 = arith.constant 0 : i32
        %cond3A_152 = arith.cmpi ne, %convert_element_type3A_150, %cond3A_151 : i32
        %cond3A_153 = scf.if %cond3A_152 -> (i32) {
          %mul3A_154 = arith.constant 16 : i32
          %mul3A_155 = arith.muli %while3A_138, %mul3A_154 : i32
          %get3A_156 = arith.index_cast %mul3A_155 : i32 to index
          %get3A_157 = tpu.vector_load %arg8[%get3A_156] {strides = array<i32>} : memref<16400xi32, #tpu.memory_space<vmem>>, vector<16xi32>,
          %swap3A_158 = arith.constant 0 : index
          %swap3A_159 = tpu.vector_load %arg12[%swap3A_158] masked %and3A_148 {strides = array<i32>} : memref<16xi32, #tpu.memory_space<vmem>>, vector<16xi32>, vector<16xi1>
          tpu.vector_store %arg12[%swap3A_158], %get3A_142 masked %and3A_148 {strides = array<i32>} : memref<16xi32, #tpu.memory_space<vmem>>, vector<16xi32>, vector<16xi1>
          %swap3A_160 = arith.constant 0 : index
          %swap3A_161 = tpu.vector_load %arg13[%swap3A_160] masked %and3A_148 {strides = array<i32>} : memref<16xi32, #tpu.memory_space<vmem>>, vector<16xi32>, vector<16xi1>
          tpu.vector_store %arg13[%swap3A_160], %get3A_157 masked %and3A_148 {strides = array<i32>} : memref<16xi32, #tpu.memory_space<vmem>>, vector<16xi32>, vector<16xi1>
          %while3A_162 = arith.constant 0 : i32
          %while3A_163 = arith.subi %squeeze3A, %while3A_162 : i32
          %while3A_164 = arith.addi %while3A_162, %while3A_163 : i32
          %while3A_165 = arith.constant 1 : i32
          %while3A_166 = arith.divsi %while3A_163, %while3A_165 : i32
          %while3A_167 = arith.muli %while3A_166, %while3A_165 : i32
          %while3A_168 = arith.addi %while3A_162, %while3A_167 : i32
          %while3A_169 = arith.constant 1 : i32
          %while3A_170 = scf.for %while3A_173 = %while3A_162 to %while3A_168 step %while3A_169 iter_args(%while3A_174 = %while3A_139) -> (i32)  : i32 {
            %broadcast_in_dim3A_175 = vector.broadcast %while3A_173 : i32 to vector<16xi32>
            %gather3A = tpu.vector_load_idx %arg12[%broadcast_in_dim3A_175] : memref<16xi32, #tpu.memory_space<vmem>>[vector<16xi32>], vector<16xi32>,
            %broadcast_in_dim3A_176 = vector.broadcast %while3A_173 : i32 to vector<16xi32>
            %gather3A_177 = tpu.vector_load_idx %arg13[%broadcast_in_dim3A_176] : memref<16xi32, #tpu.memory_space<vmem>>[vector<16xi32>], vector<16xi32>,
            %sub3A_178 = vector.broadcast %multiple_of3A_101 : i32 to vector<16xi32>
            %sub3A_179 = arith.subi %gather3A, %sub3A_178 : vector<16xi32>
            %jit3A_180 = arith.constant 32 : i32
            %eq3A_181 = arith.constant 0 : i32
            %eq3A_182 = arith.cmpi eq, %jit3A_180, %eq3A_181 : i32
            %jit3A_183 = arith.constant 1 : i32
            %select_n3A_184 = arith.select %eq3A_182, %jit3A_183, %jit3A_180 : i32
            %rem3A_185 = arith.remsi %while3A_174, %select_n3A_184 : i32
            %ne3A_186 = arith.constant 0 : i32
            %ne3A_187 = arith.cmpi ne, %rem3A_185, %ne3A_186 : i32
            %lt3A_188 = arith.constant 0 : i32
            %lt3A_189 = arith.cmpi slt, %rem3A_185, %lt3A_188 : i32
            %lt3A_190 = arith.constant 0 : i32
            %lt3A_191 = arith.cmpi slt, %select_n3A_184, %lt3A_190 : i32
            %ne3A_192 = arith.xori %lt3A_189, %lt3A_191 : i1
            %and3A_193 = arith.andi %ne3A_192, %ne3A_187 : i1
            %add3A_194 = arith.addi %rem3A_185, %select_n3A_184 : i32
            %select_n3A_195 = arith.select %and3A_193, %add3A_194, %rem3A_185 : i32
            %add3A_196 = arith.constant 0 : i32
            %add3A_197 = vector.broadcast %add3A_196 : i32 to vector<16xi32>
            %add3A_198 = arith.addi %iota3A, %add3A_197 : vector<16xi32>
            %gather3A_199 = arith.constant 0 : i32
            %gather3A_200 = arith.constant 0 : i32
            %gather3A_201 = tpu.memref_slice %arg9[%and3A_126, %gather3A_199, %gather3A_200] : memref<2x64x512xf32, #tpu.memory_space<vmem>> -> memref<1x64x512xf32, #tpu.memory_space<vmem>>
            %gather3A_202 = tpu.memref_squeeze %gather3A_201 : memref<1x64x512xf32, #tpu.memory_space<vmem>> -> memref<64x512xf32, #tpu.memory_space<vmem>>
            %gather3A_203 = tpu.vector_load_idx %gather3A_202[%add3A_198, %sub3A_179] : memref<64x512xf32, #tpu.memory_space<vmem>>[vector<16xi32>, vector<16xi32>], vector<16xf32>,
            %swap3A_204 = arith.index_cast %select_n3A_195 : i32 to index
            %swap3A_205 = arith.constant 0 : index
            %swap3A_206 = tpu.vector_load %arg10[%swap3A_204, %swap3A_205] {strides = array<i32>} : memref<32x128xf32, #tpu.memory_space<vmem>>, vector<16xf32>,
            tpu.vector_store %arg10[%swap3A_204, %swap3A_205], %gather3A_203 {strides = array<i32>} : memref<32x128xf32, #tpu.memory_space<vmem>>, vector<16xf32>,
            %add3A_207 = arith.constant 16 : i32
            %add3A_208 = vector.broadcast %add3A_207 : i32 to vector<16xi32>
            %add3A_209 = arith.addi %iota3A, %add3A_208 : vector<16xi32>
            %gather3A_210 = arith.constant 0 : i32
            %gather3A_211 = arith.constant 0 : i32
            %gather3A_212 = tpu.memref_slice %arg9[%and3A_126, %gather3A_210, %gather3A_211] : memref<2x64x512xf32, #tpu.memory_space<vmem>> -> memref<1x64x512xf32, #tpu.memory_space<vmem>>
            %gather3A_213 = tpu.memref_squeeze %gather3A_212 : memref<1x64x512xf32, #tpu.memory_space<vmem>> -> memref<64x512xf32, #tpu.memory_space<vmem>>
            %gather3A_214 = tpu.vector_load_idx %gather3A_213[%add3A_209, %sub3A_179] : memref<64x512xf32, #tpu.memory_space<vmem>>[vector<16xi32>, vector<16xi32>], vector<16xf32>,
            %swap3A_215 = arith.index_cast %select_n3A_195 : i32 to index
            %swap3A_216 = arith.constant 16 : index
            %swap3A_217 = tpu.vector_load %arg10[%swap3A_215, %swap3A_216] {strides = array<i32>} : memref<32x128xf32, #tpu.memory_space<vmem>>, vector<16xf32>,
            tpu.vector_store %arg10[%swap3A_215, %swap3A_216], %gather3A_214 {strides = array<i32>} : memref<32x128xf32, #tpu.memory_space<vmem>>, vector<16xf32>,
            %add3A_218 = arith.constant 32 : i32
            %add3A_219 = vector.broadcast %add3A_218 : i32 to vector<16xi32>
            %add3A_220 = arith.addi %iota3A, %add3A_219 : vector<16xi32>
            %gather3A_221 = arith.constant 0 : i32
            %gather3A_222 = arith.constant 0 : i32
            %gather3A_223 = tpu.memref_slice %arg9[%and3A_126, %gather3A_221, %gather3A_222] : memref<2x64x512xf32, #tpu.memory_space<vmem>> -> memref<1x64x512xf32, #tpu.memory_space<vmem>>
            %gather3A_224 = tpu.memref_squeeze %gather3A_223 : memref<1x64x512xf32, #tpu.memory_space<vmem>> -> memref<64x512xf32, #tpu.memory_space<vmem>>
            %gather3A_225 = tpu.vector_load_idx %gather3A_224[%add3A_220, %sub3A_179] : memref<64x512xf32, #tpu.memory_space<vmem>>[vector<16xi32>, vector<16xi32>], vector<16xf32>,
            %swap3A_226 = arith.index_cast %select_n3A_195 : i32 to index
            %swap3A_227 = arith.constant 32 : index
            %swap3A_228 = tpu.vector_load %arg10[%swap3A_226, %swap3A_227] {strides = array<i32>} : memref<32x128xf32, #tpu.memory_space<vmem>>, vector<16xf32>,
            tpu.vector_store %arg10[%swap3A_226, %swap3A_227], %gather3A_225 {strides = array<i32>} : memref<32x128xf32, #tpu.memory_space<vmem>>, vector<16xf32>,
            %add3A_229 = arith.constant 48 : i32
            %add3A_230 = vector.broadcast %add3A_229 : i32 to vector<16xi32>
            %add3A_231 = arith.addi %iota3A, %add3A_230 : vector<16xi32>
            %gather3A_232 = arith.constant 0 : i32
            %gather3A_233 = arith.constant 0 : i32
            %gather3A_234 = tpu.memref_slice %arg9[%and3A_126, %gather3A_232, %gather3A_233] : memref<2x64x512xf32, #tpu.memory_space<vmem>> -> memref<1x64x512xf32, #tpu.memory_space<vmem>>
            %gather3A_235 = tpu.memref_squeeze %gather3A_234 : memref<1x64x512xf32, #tpu.memory_space<vmem>> -> memref<64x512xf32, #tpu.memory_space<vmem>>
            %gather3A_236 = tpu.vector_load_idx %gather3A_235[%add3A_231, %sub3A_179] : memref<64x512xf32, #tpu.memory_space<vmem>>[vector<16xi32>, vector<16xi32>], vector<16xf32>,
            %swap3A_237 = arith.index_cast %select_n3A_195 : i32 to index
            %swap3A_238 = arith.constant 48 : index
            %swap3A_239 = tpu.vector_load %arg10[%swap3A_237, %swap3A_238] {strides = array<i32>} : memref<32x128xf32, #tpu.memory_space<vmem>>, vector<16xf32>,
            tpu.vector_store %arg10[%swap3A_237, %swap3A_238], %gather3A_236 {strides = array<i32>} : memref<32x128xf32, #tpu.memory_space<vmem>>, vector<16xf32>,
            %broadcast_in_dim3A_240 = vector.broadcast %select_n3A_195 : i32 to vector<16xi32>
            %eq3A_241 = arith.constant 0 : i32
            %eq3A_242 = vector.broadcast %eq3A_241 : i32 to vector<16xi32>
            %eq3A_243 = arith.cmpi eq, %iota3A, %eq3A_242 : vector<16xi32>
            tpu.vector_store_idx %arg11[%broadcast_in_dim3A_240], %gather3A_177 masked %eq3A_243 : memref<32xi32, #tpu.memory_space<vmem>>[vector<16xi32>], vector<16xi32>, vector<16xi1>
            %add3A_244 = arith.constant 1 : i32
            %add3A_245 = arith.addi %while3A_174, %add3A_244 : i32
            %jit3A_246 = arith.constant 32 : i32
            %eq3A_247 = arith.constant 0 : i32
            %eq3A_248 = arith.cmpi eq, %jit3A_246, %eq3A_247 : i32
            %jit3A_249 = arith.constant 1 : i32
            %select_n3A_250 = arith.select %eq3A_248, %jit3A_249, %jit3A_246 : i32
            %rem3A_251 = arith.remsi %add3A_245, %select_n3A_250 : i32
            %ne3A_252 = arith.constant 0 : i32
            %ne3A_253 = arith.cmpi ne, %rem3A_251, %ne3A_252 : i32
            %lt3A_254 = arith.constant 0 : i32
            %lt3A_255 = arith.cmpi slt, %rem3A_251, %lt3A_254 : i32
            %lt3A_256 = arith.constant 0 : i32
            %lt3A_257 = arith.cmpi slt, %select_n3A_250, %lt3A_256 : i32
            %ne3A_258 = arith.xori %lt3A_255, %lt3A_257 : i1
            %and3A_259 = arith.andi %ne3A_258, %ne3A_253 : i1
            %add3A_260 = arith.addi %rem3A_251, %select_n3A_250 : i32
            %select_n3A_261 = arith.select %and3A_259, %add3A_260, %rem3A_251 : i32
            %eq3A_262 = arith.constant 0 : i32
            %eq3A_263 = arith.cmpi eq, %select_n3A_261, %eq3A_262 : i32
            %convert_element_type3A_264 = arith.extui %eq3A_263 : i1 to i32
            %cond3A_265 = arith.constant 0 : i32
            %cond3A_266 = arith.cmpi ne, %convert_element_type3A_264, %cond3A_265 : i32
            scf.if %cond3A_266 {
              %dma_start3A_267 = arith.constant 0 : i32
              %dma_start3A_268 = arith.constant 0 : i32
              %dma_start3A_269 = tpu.memref_slice %arg5[%dma_start3A_267, %dma_start3A_268] : memref<16400x128xf32, #tpu.memory_space<hbm>> -> memref<16400x128xf32, #tpu.memory_space<hbm>>
              tpu.enqueue_indirect_dma source(%arg10 : memref<32x128xf32, #tpu.memory_space<vmem>>) target(%dma_start3A_269 : memref<16400x128xf32, #tpu.memory_space<hbm>>) offsets(%arg11 : memref<32xi32, #tpu.memory_space<vmem>>) semaphore(%arg15 : memref<!tpu.dma_semaphore, #tpu.memory_space<semaphore_mem>>)
              %dma_wait3A_270 = arith.constant 0 : i32
              %dma_wait3A_271 = arith.constant 0 : i32
              %dma_wait3A_272 = tpu.memref_slice %arg5[%dma_wait3A_270, %dma_wait3A_271] : memref<16400x128xf32, #tpu.memory_space<hbm>> -> memref<16400x128xf32, #tpu.memory_space<hbm>>
              tpu.wait_indirect_dma semaphore(%arg15 : memref<!tpu.dma_semaphore, #tpu.memory_space<semaphore_mem>>) src(%arg10 : memref<32x128xf32, #tpu.memory_space<vmem>>) dst(%dma_wait3A_272 : memref<16400x128xf32, #tpu.memory_space<hbm>>)
              %add3A_273 = arith.constant 16384 : i32
              %add3A_274 = vector.broadcast %add3A_273 : i32 to vector<16xi32>
              %add3A_275 = arith.addi %iota3A, %add3A_274 : vector<16xi32>
              %swap3A_276 = arith.constant 0 : index
              %swap3A_277 = tpu.vector_load %arg11[%swap3A_276] {strides = array<i32>} : memref<32xi32, #tpu.memory_space<vmem>>, vector<16xi32>,
              tpu.vector_store %arg11[%swap3A_276], %add3A_275 {strides = array<i32>} : memref<32xi32, #tpu.memory_space<vmem>>, vector<16xi32>,
              %add3A_278 = arith.constant 16384 : i32
              %add3A_279 = vector.broadcast %add3A_278 : i32 to vector<16xi32>
              %add3A_280 = arith.addi %iota3A, %add3A_279 : vector<16xi32>
              %swap3A_281 = arith.constant 16 : index
              %swap3A_282 = tpu.vector_load %arg11[%swap3A_281] {strides = array<i32>} : memref<32xi32, #tpu.memory_space<vmem>>, vector<16xi32>,
              tpu.vector_store %arg11[%swap3A_281], %add3A_280 {strides = array<i32>} : memref<32xi32, #tpu.memory_space<vmem>>, vector<16xi32>,
            } else {
            }
            scf.yield %add3A_245 : i32
          }
          %while3A_171 = arith.constant 1 : i32
          %while3A_172 = scf.for %while3A_173 = %while3A_168 to %while3A_164 step %while3A_171 iter_args(%while3A_174 = %while3A_170) -> (i32)  : i32 {
            %broadcast_in_dim3A_175 = vector.broadcast %while3A_173 : i32 to vector<16xi32>
            %gather3A = tpu.vector_load_idx %arg12[%broadcast_in_dim3A_175] : memref<16xi32, #tpu.memory_space<vmem>>[vector<16xi32>], vector<16xi32>,
            %broadcast_in_dim3A_176 = vector.broadcast %while3A_173 : i32 to vector<16xi32>
            %gather3A_177 = tpu.vector_load_idx %arg13[%broadcast_in_dim3A_176] : memref<16xi32, #tpu.memory_space<vmem>>[vector<16xi32>], vector<16xi32>,
            %sub3A_178 = vector.broadcast %multiple_of3A_101 : i32 to vector<16xi32>
            %sub3A_179 = arith.subi %gather3A, %sub3A_178 : vector<16xi32>
            %jit3A_180 = arith.constant 32 : i32
            %eq3A_181 = arith.constant 0 : i32
            %eq3A_182 = arith.cmpi eq, %jit3A_180, %eq3A_181 : i32
            %jit3A_183 = arith.constant 1 : i32
            %select_n3A_184 = arith.select %eq3A_182, %jit3A_183, %jit3A_180 : i32
            %rem3A_185 = arith.remsi %while3A_174, %select_n3A_184 : i32
            %ne3A_186 = arith.constant 0 : i32
            %ne3A_187 = arith.cmpi ne, %rem3A_185, %ne3A_186 : i32
            %lt3A_188 = arith.constant 0 : i32
            %lt3A_189 = arith.cmpi slt, %rem3A_185, %lt3A_188 : i32
            %lt3A_190 = arith.constant 0 : i32
            %lt3A_191 = arith.cmpi slt, %select_n3A_184, %lt3A_190 : i32
            %ne3A_192 = arith.xori %lt3A_189, %lt3A_191 : i1
            %and3A_193 = arith.andi %ne3A_192, %ne3A_187 : i1
            %add3A_194 = arith.addi %rem3A_185, %select_n3A_184 : i32
            %select_n3A_195 = arith.select %and3A_193, %add3A_194, %rem3A_185 : i32
            %add3A_196 = arith.constant 0 : i32
            %add3A_197 = vector.broadcast %add3A_196 : i32 to vector<16xi32>
            %add3A_198 = arith.addi %iota3A, %add3A_197 : vector<16xi32>
            %gather3A_199 = arith.constant 0 : i32
            %gather3A_200 = arith.constant 0 : i32
            %gather3A_201 = tpu.memref_slice %arg9[%and3A_126, %gather3A_199, %gather3A_200] : memref<2x64x512xf32, #tpu.memory_space<vmem>> -> memref<1x64x512xf32, #tpu.memory_space<vmem>>
            %gather3A_202 = tpu.memref_squeeze %gather3A_201 : memref<1x64x512xf32, #tpu.memory_space<vmem>> -> memref<64x512xf32, #tpu.memory_space<vmem>>
            %gather3A_203 = tpu.vector_load_idx %gather3A_202[%add3A_198, %sub3A_179] : memref<64x512xf32, #tpu.memory_space<vmem>>[vector<16xi32>, vector<16xi32>], vector<16xf32>,
            %swap3A_204 = arith.index_cast %select_n3A_195 : i32 to index
            %swap3A_205 = arith.constant 0 : index
            %swap3A_206 = tpu.vector_load %arg10[%swap3A_204, %swap3A_205] {strides = array<i32>} : memref<32x128xf32, #tpu.memory_space<vmem>>, vector<16xf32>,
            tpu.vector_store %arg10[%swap3A_204, %swap3A_205], %gather3A_203 {strides = array<i32>} : memref<32x128xf32, #tpu.memory_space<vmem>>, vector<16xf32>,
            %add3A_207 = arith.constant 16 : i32
            %add3A_208 = vector.broadcast %add3A_207 : i32 to vector<16xi32>
            %add3A_209 = arith.addi %iota3A, %add3A_208 : vector<16xi32>
            %gather3A_210 = arith.constant 0 : i32
            %gather3A_211 = arith.constant 0 : i32
            %gather3A_212 = tpu.memref_slice %arg9[%and3A_126, %gather3A_210, %gather3A_211] : memref<2x64x512xf32, #tpu.memory_space<vmem>> -> memref<1x64x512xf32, #tpu.memory_space<vmem>>
            %gather3A_213 = tpu.memref_squeeze %gather3A_212 : memref<1x64x512xf32, #tpu.memory_space<vmem>> -> memref<64x512xf32, #tpu.memory_space<vmem>>
            %gather3A_214 = tpu.vector_load_idx %gather3A_213[%add3A_209, %sub3A_179] : memref<64x512xf32, #tpu.memory_space<vmem>>[vector<16xi32>, vector<16xi32>], vector<16xf32>,
            %swap3A_215 = arith.index_cast %select_n3A_195 : i32 to index
            %swap3A_216 = arith.constant 16 : index
            %swap3A_217 = tpu.vector_load %arg10[%swap3A_215, %swap3A_216] {strides = array<i32>} : memref<32x128xf32, #tpu.memory_space<vmem>>, vector<16xf32>,
            tpu.vector_store %arg10[%swap3A_215, %swap3A_216], %gather3A_214 {strides = array<i32>} : memref<32x128xf32, #tpu.memory_space<vmem>>, vector<16xf32>,
            %add3A_218 = arith.constant 32 : i32
            %add3A_219 = vector.broadcast %add3A_218 : i32 to vector<16xi32>
            %add3A_220 = arith.addi %iota3A, %add3A_219 : vector<16xi32>
            %gather3A_221 = arith.constant 0 : i32
            %gather3A_222 = arith.constant 0 : i32
            %gather3A_223 = tpu.memref_slice %arg9[%and3A_126, %gather3A_221, %gather3A_222] : memref<2x64x512xf32, #tpu.memory_space<vmem>> -> memref<1x64x512xf32, #tpu.memory_space<vmem>>
            %gather3A_224 = tpu.memref_squeeze %gather3A_223 : memref<1x64x512xf32, #tpu.memory_space<vmem>> -> memref<64x512xf32, #tpu.memory_space<vmem>>
            %gather3A_225 = tpu.vector_load_idx %gather3A_224[%add3A_220, %sub3A_179] : memref<64x512xf32, #tpu.memory_space<vmem>>[vector<16xi32>, vector<16xi32>], vector<16xf32>,
            %swap3A_226 = arith.index_cast %select_n3A_195 : i32 to index
            %swap3A_227 = arith.constant 32 : index
            %swap3A_228 = tpu.vector_load %arg10[%swap3A_226, %swap3A_227] {strides = array<i32>} : memref<32x128xf32, #tpu.memory_space<vmem>>, vector<16xf32>,
            tpu.vector_store %arg10[%swap3A_226, %swap3A_227], %gather3A_225 {strides = array<i32>} : memref<32x128xf32, #tpu.memory_space<vmem>>, vector<16xf32>,
            %add3A_229 = arith.constant 48 : i32
            %add3A_230 = vector.broadcast %add3A_229 : i32 to vector<16xi32>
            %add3A_231 = arith.addi %iota3A, %add3A_230 : vector<16xi32>
            %gather3A_232 = arith.constant 0 : i32
            %gather3A_233 = arith.constant 0 : i32
            %gather3A_234 = tpu.memref_slice %arg9[%and3A_126, %gather3A_232, %gather3A_233] : memref<2x64x512xf32, #tpu.memory_space<vmem>> -> memref<1x64x512xf32, #tpu.memory_space<vmem>>
            %gather3A_235 = tpu.memref_squeeze %gather3A_234 : memref<1x64x512xf32, #tpu.memory_space<vmem>> -> memref<64x512xf32, #tpu.memory_space<vmem>>
            %gather3A_236 = tpu.vector_load_idx %gather3A_235[%add3A_231, %sub3A_179] : memref<64x512xf32, #tpu.memory_space<vmem>>[vector<16xi32>, vector<16xi32>], vector<16xf32>,
            %swap3A_237 = arith.index_cast %select_n3A_195 : i32 to index
            %swap3A_238 = arith.constant 48 : index
            %swap3A_239 = tpu.vector_load %arg10[%swap3A_237, %swap3A_238] {strides = array<i32>} : memref<32x128xf32, #tpu.memory_space<vmem>>, vector<16xf32>,
            tpu.vector_store %arg10[%swap3A_237, %swap3A_238], %gather3A_236 {strides = array<i32>} : memref<32x128xf32, #tpu.memory_space<vmem>>, vector<16xf32>,
            %broadcast_in_dim3A_240 = vector.broadcast %select_n3A_195 : i32 to vector<16xi32>
            %eq3A_241 = arith.constant 0 : i32
            %eq3A_242 = vector.broadcast %eq3A_241 : i32 to vector<16xi32>
            %eq3A_243 = arith.cmpi eq, %iota3A, %eq3A_242 : vector<16xi32>
            tpu.vector_store_idx %arg11[%broadcast_in_dim3A_240], %gather3A_177 masked %eq3A_243 : memref<32xi32, #tpu.memory_space<vmem>>[vector<16xi32>], vector<16xi32>, vector<16xi1>
            %add3A_244 = arith.constant 1 : i32
            %add3A_245 = arith.addi %while3A_174, %add3A_244 : i32
            %jit3A_246 = arith.constant 32 : i32
            %eq3A_247 = arith.constant 0 : i32
            %eq3A_248 = arith.cmpi eq, %jit3A_246, %eq3A_247 : i32
            %jit3A_249 = arith.constant 1 : i32
            %select_n3A_250 = arith.select %eq3A_248, %jit3A_249, %jit3A_246 : i32
            %rem3A_251 = arith.remsi %add3A_245, %select_n3A_250 : i32
            %ne3A_252 = arith.constant 0 : i32
            %ne3A_253 = arith.cmpi ne, %rem3A_251, %ne3A_252 : i32
            %lt3A_254 = arith.constant 0 : i32
            %lt3A_255 = arith.cmpi slt, %rem3A_251, %lt3A_254 : i32
            %lt3A_256 = arith.constant 0 : i32
            %lt3A_257 = arith.cmpi slt, %select_n3A_250, %lt3A_256 : i32
            %ne3A_258 = arith.xori %lt3A_255, %lt3A_257 : i1
            %and3A_259 = arith.andi %ne3A_258, %ne3A_253 : i1
            %add3A_260 = arith.addi %rem3A_251, %select_n3A_250 : i32
            %select_n3A_261 = arith.select %and3A_259, %add3A_260, %rem3A_251 : i32
            %eq3A_262 = arith.constant 0 : i32
            %eq3A_263 = arith.cmpi eq, %select_n3A_261, %eq3A_262 : i32
            %convert_element_type3A_264 = arith.extui %eq3A_263 : i1 to i32
            %cond3A_265 = arith.constant 0 : i32
            %cond3A_266 = arith.cmpi ne, %convert_element_type3A_264, %cond3A_265 : i32
            scf.if %cond3A_266 {
              %dma_start3A_267 = arith.constant 0 : i32
              %dma_start3A_268 = arith.constant 0 : i32
              %dma_start3A_269 = tpu.memref_slice %arg5[%dma_start3A_267, %dma_start3A_268] : memref<16400x128xf32, #tpu.memory_space<hbm>> -> memref<16400x128xf32, #tpu.memory_space<hbm>>
              tpu.enqueue_indirect_dma source(%arg10 : memref<32x128xf32, #tpu.memory_space<vmem>>) target(%dma_start3A_269 : memref<16400x128xf32, #tpu.memory_space<hbm>>) offsets(%arg11 : memref<32xi32, #tpu.memory_space<vmem>>) semaphore(%arg15 : memref<!tpu.dma_semaphore, #tpu.memory_space<semaphore_mem>>)
              %dma_wait3A_270 = arith.constant 0 : i32
              %dma_wait3A_271 = arith.constant 0 : i32
              %dma_wait3A_272 = tpu.memref_slice %arg5[%dma_wait3A_270, %dma_wait3A_271] : memref<16400x128xf32, #tpu.memory_space<hbm>> -> memref<16400x128xf32, #tpu.memory_space<hbm>>
              tpu.wait_indirect_dma semaphore(%arg15 : memref<!tpu.dma_semaphore, #tpu.memory_space<semaphore_mem>>) src(%arg10 : memref<32x128xf32, #tpu.memory_space<vmem>>) dst(%dma_wait3A_272 : memref<16400x128xf32, #tpu.memory_space<hbm>>)
              %add3A_273 = arith.constant 16384 : i32
              %add3A_274 = vector.broadcast %add3A_273 : i32 to vector<16xi32>
              %add3A_275 = arith.addi %iota3A, %add3A_274 : vector<16xi32>
              %swap3A_276 = arith.constant 0 : index
              %swap3A_277 = tpu.vector_load %arg11[%swap3A_276] {strides = array<i32>} : memref<32xi32, #tpu.memory_space<vmem>>, vector<16xi32>,
              tpu.vector_store %arg11[%swap3A_276], %add3A_275 {strides = array<i32>} : memref<32xi32, #tpu.memory_space<vmem>>, vector<16xi32>,
              %add3A_278 = arith.constant 16384 : i32
              %add3A_279 = vector.broadcast %add3A_278 : i32 to vector<16xi32>
              %add3A_280 = arith.addi %iota3A, %add3A_279 : vector<16xi32>
              %swap3A_281 = arith.constant 16 : index
              %swap3A_282 = tpu.vector_load %arg11[%swap3A_281] {strides = array<i32>} : memref<32xi32, #tpu.memory_space<vmem>>, vector<16xi32>,
              tpu.vector_store %arg11[%swap3A_281], %add3A_280 {strides = array<i32>} : memref<32xi32, #tpu.memory_space<vmem>>, vector<16xi32>,
            } else {
            }
            scf.yield %add3A_245 : i32
          }
          scf.yield %while3A_172 : i32
        } else {
          scf.yield %while3A_139 : i32
        }
        scf.yield %cond3A_153 : i32
      }
      scf.yield %while3A_137 : i32
    }
    %while3A_76 = arith.constant 1 : i32
    %while3A_77 = scf.for %while3A_96 = %while3A_73 to %while3A_69 step %while3A_76 iter_args(%while3A_97 = %while3A_75) -> (i32)  : i32 {
      %mul3A_98 = arith.constant 512 : i32
      %mul3A_99 = arith.muli %while3A_96, %mul3A_98 : i32
      %add3A_100 = arith.addi %mul3A_2, %mul3A_99 : i32
      %multiple_of3A_101 = tpu.assume_multiple %add3A_100, 512 : i32
      %mul3A_102 = arith.constant 512 : i32
      %mul3A_103 = arith.muli %while3A_96, %mul3A_102 : i32
      %add3A_104 = arith.addi %mul3A_2, %mul3A_103 : i32
      %multiple_of3A_105 = tpu.assume_multiple %add3A_104, 512 : i32
      %and3A_106 = arith.constant 1 : i32
      %and3A_107 = arith.andi %while3A_96, %and3A_106 : i32
      %dma_wait3A_108 = arith.constant 0 : i32
      %dma_wait3A_109 = arith.constant 0 : i32
      %dma_wait3A_110 = tpu.memref_slice %arg9[%and3A_107, %dma_wait3A_108, %dma_wait3A_109] : memref<2x64x512xf32, #tpu.memory_space<vmem>> -> memref<1x64x512xf32, #tpu.memory_space<vmem>>
      %dma_wait3A_111 = tpu.memref_squeeze %dma_wait3A_110 : memref<1x64x512xf32, #tpu.memory_space<vmem>> -> memref<64x512xf32, #tpu.memory_space<vmem>>
      %dma_wait3A_112 = arith.constant 0 : i32
      %dma_wait3A_113 = tpu.memref_slice %arg3[%dma_wait3A_112, %multiple_of3A_105] : memref<64x1000000xf32, #tpu.memory_space<hbm>> -> memref<64x512xf32, #tpu.memory_space<hbm>>
      %dma_wait3A_114 = arith.constant 0 : i32
      %dma_wait3A_115 = arith.constant 0 : i32
      %dma_wait3A_116 = tpu.memref_slice %arg9[%and3A_107, %dma_wait3A_114, %dma_wait3A_115] : memref<2x64x512xf32, #tpu.memory_space<vmem>> -> memref<1x64x512xf32, #tpu.memory_space<vmem>>
      %dma_wait3A_117 = tpu.memref_squeeze %dma_wait3A_116 : memref<1x64x512xf32, #tpu.memory_space<vmem>> -> memref<64x512xf32, #tpu.memory_space<vmem>>
      %dma_wait3A_118 = arith.constant 0 : i32
      %dma_wait3A_119 = tpu.memref_slice %arg3[%dma_wait3A_118, %multiple_of3A_105] : memref<64x1000000xf32, #tpu.memory_space<hbm>> -> memref<64x512xf32, #tpu.memory_space<hbm>>
      tpu.wait_dma2 semaphore(%arg16 : memref<!tpu.dma_semaphore, #tpu.memory_space<semaphore_mem>>) src(%dma_wait3A_119 : memref<64x512xf32, #tpu.memory_space<hbm>>) dst(%dma_wait3A_117 : memref<64x512xf32, #tpu.memory_space<vmem>>)
      %add3A_120 = arith.constant 1 : i32
      %add3A_121 = arith.addi %while3A_96, %add3A_120 : i32
      %lt3A = arith.cmpi slt, %add3A_121, %select_n3A_10 : i32
      %convert_element_type3A_122 = arith.extui %lt3A : i1 to i32
      %cond3A_123 = arith.constant 0 : i32
      %cond3A_124 = arith.cmpi ne, %convert_element_type3A_122, %cond3A_123 : i32
      scf.if %cond3A_124 {
        %add3A_138 = arith.constant 1 : i32
        %add3A_139 = arith.addi %while3A_96, %add3A_138 : i32
        %mul3A_140 = arith.constant 512 : i32
        %mul3A_141 = arith.muli %add3A_139, %mul3A_140 : i32
        %add3A_142 = arith.addi %mul3A_2, %mul3A_141 : i32
        %multiple_of3A_143 = tpu.assume_multiple %add3A_142, 512 : i32
        %and3A_144 = arith.constant 1 : i32
        %and3A_145 = arith.andi %add3A_139, %and3A_144 : i32
        %dma_start3A_146 = arith.constant 0 : i32
        %dma_start3A_147 = arith.constant 0 : i32
        %dma_start3A_148 = tpu.memref_slice %arg9[%and3A_145, %dma_start3A_146, %dma_start3A_147] : memref<2x64x512xf32, #tpu.memory_space<vmem>> -> memref<1x64x512xf32, #tpu.memory_space<vmem>>
        %dma_start3A_149 = tpu.memref_squeeze %dma_start3A_148 : memref<1x64x512xf32, #tpu.memory_space<vmem>> -> memref<64x512xf32, #tpu.memory_space<vmem>>
        %dma_start3A_150 = arith.constant 0 : i32
        %dma_start3A_151 = tpu.memref_slice %arg3[%dma_start3A_150, %multiple_of3A_143] : memref<64x1000000xf32, #tpu.memory_space<hbm>> -> memref<64x512xf32, #tpu.memory_space<hbm>>
        %dma_start3A_152 = arith.constant 0 : i32
        %dma_start3A_153 = arith.constant 0 : i32
        %dma_start3A_154 = tpu.memref_slice %arg9[%and3A_145, %dma_start3A_152, %dma_start3A_153] : memref<2x64x512xf32, #tpu.memory_space<vmem>> -> memref<1x64x512xf32, #tpu.memory_space<vmem>>
        %dma_start3A_155 = tpu.memref_squeeze %dma_start3A_154 : memref<1x64x512xf32, #tpu.memory_space<vmem>> -> memref<64x512xf32, #tpu.memory_space<vmem>>
        %dma_start3A_156 = arith.constant 0 : i32
        %dma_start3A_157 = tpu.memref_slice %arg3[%dma_start3A_156, %multiple_of3A_143] : memref<64x1000000xf32, #tpu.memory_space<hbm>> -> memref<64x512xf32, #tpu.memory_space<hbm>>
        tpu.enqueue_dma source(%dma_start3A_157 : memref<64x512xf32, #tpu.memory_space<hbm>>) target(%dma_start3A_155 : memref<64x512xf32, #tpu.memory_space<vmem>>) target_semaphore(%arg16 : memref<!tpu.dma_semaphore, #tpu.memory_space<semaphore_mem>>)
      } else {
      }
      %and3A_125 = arith.constant 1 : i32
      %and3A_126 = arith.andi %while3A_96, %and3A_125 : i32
      %while3A_127 = arith.constant 0 : i32
      %while3A_128 = arith.subi %select_n3A_57, %while3A_127 : i32
      %while3A_129 = arith.addi %while3A_127, %while3A_128 : i32
      %while3A_130 = arith.constant 1 : i32
      %while3A_131 = arith.divsi %while3A_128, %while3A_130 : i32
      %while3A_132 = arith.muli %while3A_131, %while3A_130 : i32
      %while3A_133 = arith.addi %while3A_127, %while3A_132 : i32
      %while3A_134 = arith.constant 1 : i32
      %while3A_135 = scf.for %while3A_138 = %while3A_127 to %while3A_133 step %while3A_134 iter_args(%while3A_139 = %while3A_97) -> (i32)  : i32 {
        %mul3A_140 = arith.constant 16 : i32
        %mul3A_141 = arith.muli %while3A_138, %mul3A_140 : i32
        %get3A = arith.index_cast %mul3A_141 : i32 to index
        %get3A_142 = tpu.vector_load %arg7[%get3A] {strides = array<i32>} : memref<16400xi32, #tpu.memory_space<vmem>>, vector<16xi32>,
        %ge3A = vector.broadcast %multiple_of3A_101 : i32 to vector<16xi32>
        %ge3A_143 = arith.cmpi sge, %get3A_142, %ge3A : vector<16xi32>
        %add3A_144 = arith.constant 512 : i32
        %add3A_145 = arith.addi %multiple_of3A_101, %add3A_144 : i32
        %lt3A_146 = vector.broadcast %add3A_145 : i32 to vector<16xi32>
        %lt3A_147 = arith.cmpi slt, %get3A_142, %lt3A_146 : vector<16xi32>
        %and3A_148 = arith.andi %ge3A_143, %lt3A_147 : vector<16xi1>
        %all_reduce_population_count3A = tpu.all_reduce %and3A_148 {dim = 0 : i64, kind = #tpu.reduction_kind<sum>} : vector<16xi1> -> vector<16xi32>
        %slice3A = vector.extract_strided_slice %all_reduce_population_count3A {offsets = [0], sizes = [1], strides = [1]} : vector<16xi32> to vector<1xi32>
        %squeeze3A = vector.extract %slice3A[0] : i32 from vector<1xi32>
        %gt3A = arith.constant 0 : i32
        %gt3A_149 = arith.cmpi sgt, %squeeze3A, %gt3A : i32
        %convert_element_type3A_150 = arith.extui %gt3A_149 : i1 to i32
        %cond3A_151 = arith.constant 0 : i32
        %cond3A_152 = arith.cmpi ne, %convert_element_type3A_150, %cond3A_151 : i32
        %cond3A_153 = scf.if %cond3A_152 -> (i32) {
          %mul3A_154 = arith.constant 16 : i32
          %mul3A_155 = arith.muli %while3A_138, %mul3A_154 : i32
          %get3A_156 = arith.index_cast %mul3A_155 : i32 to index
          %get3A_157 = tpu.vector_load %arg8[%get3A_156] {strides = array<i32>} : memref<16400xi32, #tpu.memory_space<vmem>>, vector<16xi32>,
          %swap3A_158 = arith.constant 0 : index
          %swap3A_159 = tpu.vector_load %arg12[%swap3A_158] masked %and3A_148 {strides = array<i32>} : memref<16xi32, #tpu.memory_space<vmem>>, vector<16xi32>, vector<16xi1>
          tpu.vector_store %arg12[%swap3A_158], %get3A_142 masked %and3A_148 {strides = array<i32>} : memref<16xi32, #tpu.memory_space<vmem>>, vector<16xi32>, vector<16xi1>
          %swap3A_160 = arith.constant 0 : index
          %swap3A_161 = tpu.vector_load %arg13[%swap3A_160] masked %and3A_148 {strides = array<i32>} : memref<16xi32, #tpu.memory_space<vmem>>, vector<16xi32>, vector<16xi1>
          tpu.vector_store %arg13[%swap3A_160], %get3A_157 masked %and3A_148 {strides = array<i32>} : memref<16xi32, #tpu.memory_space<vmem>>, vector<16xi32>, vector<16xi1>
          %while3A_162 = arith.constant 0 : i32
          %while3A_163 = arith.subi %squeeze3A, %while3A_162 : i32
          %while3A_164 = arith.addi %while3A_162, %while3A_163 : i32
          %while3A_165 = arith.constant 1 : i32
          %while3A_166 = arith.divsi %while3A_163, %while3A_165 : i32
          %while3A_167 = arith.muli %while3A_166, %while3A_165 : i32
          %while3A_168 = arith.addi %while3A_162, %while3A_167 : i32
          %while3A_169 = arith.constant 1 : i32
          %while3A_170 = scf.for %while3A_173 = %while3A_162 to %while3A_168 step %while3A_169 iter_args(%while3A_174 = %while3A_139) -> (i32)  : i32 {
            %broadcast_in_dim3A_175 = vector.broadcast %while3A_173 : i32 to vector<16xi32>
            %gather3A = tpu.vector_load_idx %arg12[%broadcast_in_dim3A_175] : memref<16xi32, #tpu.memory_space<vmem>>[vector<16xi32>], vector<16xi32>,
            %broadcast_in_dim3A_176 = vector.broadcast %while3A_173 : i32 to vector<16xi32>
            %gather3A_177 = tpu.vector_load_idx %arg13[%broadcast_in_dim3A_176] : memref<16xi32, #tpu.memory_space<vmem>>[vector<16xi32>], vector<16xi32>,
            %sub3A_178 = vector.broadcast %multiple_of3A_101 : i32 to vector<16xi32>
            %sub3A_179 = arith.subi %gather3A, %sub3A_178 : vector<16xi32>
            %jit3A_180 = arith.constant 32 : i32
            %eq3A_181 = arith.constant 0 : i32
            %eq3A_182 = arith.cmpi eq, %jit3A_180, %eq3A_181 : i32
            %jit3A_183 = arith.constant 1 : i32
            %select_n3A_184 = arith.select %eq3A_182, %jit3A_183, %jit3A_180 : i32
            %rem3A_185 = arith.remsi %while3A_174, %select_n3A_184 : i32
            %ne3A_186 = arith.constant 0 : i32
            %ne3A_187 = arith.cmpi ne, %rem3A_185, %ne3A_186 : i32
            %lt3A_188 = arith.constant 0 : i32
            %lt3A_189 = arith.cmpi slt, %rem3A_185, %lt3A_188 : i32
            %lt3A_190 = arith.constant 0 : i32
            %lt3A_191 = arith.cmpi slt, %select_n3A_184, %lt3A_190 : i32
            %ne3A_192 = arith.xori %lt3A_189, %lt3A_191 : i1
            %and3A_193 = arith.andi %ne3A_192, %ne3A_187 : i1
            %add3A_194 = arith.addi %rem3A_185, %select_n3A_184 : i32
            %select_n3A_195 = arith.select %and3A_193, %add3A_194, %rem3A_185 : i32
            %add3A_196 = arith.constant 0 : i32
            %add3A_197 = vector.broadcast %add3A_196 : i32 to vector<16xi32>
            %add3A_198 = arith.addi %iota3A, %add3A_197 : vector<16xi32>
            %gather3A_199 = arith.constant 0 : i32
            %gather3A_200 = arith.constant 0 : i32
            %gather3A_201 = tpu.memref_slice %arg9[%and3A_126, %gather3A_199, %gather3A_200] : memref<2x64x512xf32, #tpu.memory_space<vmem>> -> memref<1x64x512xf32, #tpu.memory_space<vmem>>
            %gather3A_202 = tpu.memref_squeeze %gather3A_201 : memref<1x64x512xf32, #tpu.memory_space<vmem>> -> memref<64x512xf32, #tpu.memory_space<vmem>>
            %gather3A_203 = tpu.vector_load_idx %gather3A_202[%add3A_198, %sub3A_179] : memref<64x512xf32, #tpu.memory_space<vmem>>[vector<16xi32>, vector<16xi32>], vector<16xf32>,
            %swap3A_204 = arith.index_cast %select_n3A_195 : i32 to index
            %swap3A_205 = arith.constant 0 : index
            %swap3A_206 = tpu.vector_load %arg10[%swap3A_204, %swap3A_205] {strides = array<i32>} : memref<32x128xf32, #tpu.memory_space<vmem>>, vector<16xf32>,
            tpu.vector_store %arg10[%swap3A_204, %swap3A_205], %gather3A_203 {strides = array<i32>} : memref<32x128xf32, #tpu.memory_space<vmem>>, vector<16xf32>,
            %add3A_207 = arith.constant 16 : i32
            %add3A_208 = vector.broadcast %add3A_207 : i32 to vector<16xi32>
            %add3A_209 = arith.addi %iota3A, %add3A_208 : vector<16xi32>
            %gather3A_210 = arith.constant 0 : i32
            %gather3A_211 = arith.constant 0 : i32
            %gather3A_212 = tpu.memref_slice %arg9[%and3A_126, %gather3A_210, %gather3A_211] : memref<2x64x512xf32, #tpu.memory_space<vmem>> -> memref<1x64x512xf32, #tpu.memory_space<vmem>>
            %gather3A_213 = tpu.memref_squeeze %gather3A_212 : memref<1x64x512xf32, #tpu.memory_space<vmem>> -> memref<64x512xf32, #tpu.memory_space<vmem>>
            %gather3A_214 = tpu.vector_load_idx %gather3A_213[%add3A_209, %sub3A_179] : memref<64x512xf32, #tpu.memory_space<vmem>>[vector<16xi32>, vector<16xi32>], vector<16xf32>,
            %swap3A_215 = arith.index_cast %select_n3A_195 : i32 to index
            %swap3A_216 = arith.constant 16 : index
            %swap3A_217 = tpu.vector_load %arg10[%swap3A_215, %swap3A_216] {strides = array<i32>} : memref<32x128xf32, #tpu.memory_space<vmem>>, vector<16xf32>,
            tpu.vector_store %arg10[%swap3A_215, %swap3A_216], %gather3A_214 {strides = array<i32>} : memref<32x128xf32, #tpu.memory_space<vmem>>, vector<16xf32>,
            %add3A_218 = arith.constant 32 : i32
            %add3A_219 = vector.broadcast %add3A_218 : i32 to vector<16xi32>
            %add3A_220 = arith.addi %iota3A, %add3A_219 : vector<16xi32>
            %gather3A_221 = arith.constant 0 : i32
            %gather3A_222 = arith.constant 0 : i32
            %gather3A_223 = tpu.memref_slice %arg9[%and3A_126, %gather3A_221, %gather3A_222] : memref<2x64x512xf32, #tpu.memory_space<vmem>> -> memref<1x64x512xf32, #tpu.memory_space<vmem>>
            %gather3A_224 = tpu.memref_squeeze %gather3A_223 : memref<1x64x512xf32, #tpu.memory_space<vmem>> -> memref<64x512xf32, #tpu.memory_space<vmem>>
            %gather3A_225 = tpu.vector_load_idx %gather3A_224[%add3A_220, %sub3A_179] : memref<64x512xf32, #tpu.memory_space<vmem>>[vector<16xi32>, vector<16xi32>], vector<16xf32>,
            %swap3A_226 = arith.index_cast %select_n3A_195 : i32 to index
            %swap3A_227 = arith.constant 32 : index
            %swap3A_228 = tpu.vector_load %arg10[%swap3A_226, %swap3A_227] {strides = array<i32>} : memref<32x128xf32, #tpu.memory_space<vmem>>, vector<16xf32>,
            tpu.vector_store %arg10[%swap3A_226, %swap3A_227], %gather3A_225 {strides = array<i32>} : memref<32x128xf32, #tpu.memory_space<vmem>>, vector<16xf32>,
            %add3A_229 = arith.constant 48 : i32
            %add3A_230 = vector.broadcast %add3A_229 : i32 to vector<16xi32>
            %add3A_231 = arith.addi %iota3A, %add3A_230 : vector<16xi32>
            %gather3A_232 = arith.constant 0 : i32
            %gather3A_233 = arith.constant 0 : i32
            %gather3A_234 = tpu.memref_slice %arg9[%and3A_126, %gather3A_232, %gather3A_233] : memref<2x64x512xf32, #tpu.memory_space<vmem>> -> memref<1x64x512xf32, #tpu.memory_space<vmem>>
            %gather3A_235 = tpu.memref_squeeze %gather3A_234 : memref<1x64x512xf32, #tpu.memory_space<vmem>> -> memref<64x512xf32, #tpu.memory_space<vmem>>
            %gather3A_236 = tpu.vector_load_idx %gather3A_235[%add3A_231, %sub3A_179] : memref<64x512xf32, #tpu.memory_space<vmem>>[vector<16xi32>, vector<16xi32>], vector<16xf32>,
            %swap3A_237 = arith.index_cast %select_n3A_195 : i32 to index
            %swap3A_238 = arith.constant 48 : index
            %swap3A_239 = tpu.vector_load %arg10[%swap3A_237, %swap3A_238] {strides = array<i32>} : memref<32x128xf32, #tpu.memory_space<vmem>>, vector<16xf32>,
            tpu.vector_store %arg10[%swap3A_237, %swap3A_238], %gather3A_236 {strides = array<i32>} : memref<32x128xf32, #tpu.memory_space<vmem>>, vector<16xf32>,
            %broadcast_in_dim3A_240 = vector.broadcast %select_n3A_195 : i32 to vector<16xi32>
            %eq3A_241 = arith.constant 0 : i32
            %eq3A_242 = vector.broadcast %eq3A_241 : i32 to vector<16xi32>
            %eq3A_243 = arith.cmpi eq, %iota3A, %eq3A_242 : vector<16xi32>
            tpu.vector_store_idx %arg11[%broadcast_in_dim3A_240], %gather3A_177 masked %eq3A_243 : memref<32xi32, #tpu.memory_space<vmem>>[vector<16xi32>], vector<16xi32>, vector<16xi1>
            %add3A_244 = arith.constant 1 : i32
            %add3A_245 = arith.addi %while3A_174, %add3A_244 : i32
            %jit3A_246 = arith.constant 32 : i32
            %eq3A_247 = arith.constant 0 : i32
            %eq3A_248 = arith.cmpi eq, %jit3A_246, %eq3A_247 : i32
            %jit3A_249 = arith.constant 1 : i32
            %select_n3A_250 = arith.select %eq3A_248, %jit3A_249, %jit3A_246 : i32
            %rem3A_251 = arith.remsi %add3A_245, %select_n3A_250 : i32
            %ne3A_252 = arith.constant 0 : i32
            %ne3A_253 = arith.cmpi ne, %rem3A_251, %ne3A_252 : i32
            %lt3A_254 = arith.constant 0 : i32
            %lt3A_255 = arith.cmpi slt, %rem3A_251, %lt3A_254 : i32
            %lt3A_256 = arith.constant 0 : i32
            %lt3A_257 = arith.cmpi slt, %select_n3A_250, %lt3A_256 : i32
            %ne3A_258 = arith.xori %lt3A_255, %lt3A_257 : i1
            %and3A_259 = arith.andi %ne3A_258, %ne3A_253 : i1
            %add3A_260 = arith.addi %rem3A_251, %select_n3A_250 : i32
            %select_n3A_261 = arith.select %and3A_259, %add3A_260, %rem3A_251 : i32
            %eq3A_262 = arith.constant 0 : i32
            %eq3A_263 = arith.cmpi eq, %select_n3A_261, %eq3A_262 : i32
            %convert_element_type3A_264 = arith.extui %eq3A_263 : i1 to i32
            %cond3A_265 = arith.constant 0 : i32
            %cond3A_266 = arith.cmpi ne, %convert_element_type3A_264, %cond3A_265 : i32
            scf.if %cond3A_266 {
              %dma_start3A_267 = arith.constant 0 : i32
              %dma_start3A_268 = arith.constant 0 : i32
              %dma_start3A_269 = tpu.memref_slice %arg5[%dma_start3A_267, %dma_start3A_268] : memref<16400x128xf32, #tpu.memory_space<hbm>> -> memref<16400x128xf32, #tpu.memory_space<hbm>>
              tpu.enqueue_indirect_dma source(%arg10 : memref<32x128xf32, #tpu.memory_space<vmem>>) target(%dma_start3A_269 : memref<16400x128xf32, #tpu.memory_space<hbm>>) offsets(%arg11 : memref<32xi32, #tpu.memory_space<vmem>>) semaphore(%arg15 : memref<!tpu.dma_semaphore, #tpu.memory_space<semaphore_mem>>)
              %dma_wait3A_270 = arith.constant 0 : i32
              %dma_wait3A_271 = arith.constant 0 : i32
              %dma_wait3A_272 = tpu.memref_slice %arg5[%dma_wait3A_270, %dma_wait3A_271] : memref<16400x128xf32, #tpu.memory_space<hbm>> -> memref<16400x128xf32, #tpu.memory_space<hbm>>
              tpu.wait_indirect_dma semaphore(%arg15 : memref<!tpu.dma_semaphore, #tpu.memory_space<semaphore_mem>>) src(%arg10 : memref<32x128xf32, #tpu.memory_space<vmem>>) dst(%dma_wait3A_272 : memref<16400x128xf32, #tpu.memory_space<hbm>>)
              %add3A_273 = arith.constant 16384 : i32
              %add3A_274 = vector.broadcast %add3A_273 : i32 to vector<16xi32>
              %add3A_275 = arith.addi %iota3A, %add3A_274 : vector<16xi32>
              %swap3A_276 = arith.constant 0 : index
              %swap3A_277 = tpu.vector_load %arg11[%swap3A_276] {strides = array<i32>} : memref<32xi32, #tpu.memory_space<vmem>>, vector<16xi32>,
              tpu.vector_store %arg11[%swap3A_276], %add3A_275 {strides = array<i32>} : memref<32xi32, #tpu.memory_space<vmem>>, vector<16xi32>,
              %add3A_278 = arith.constant 16384 : i32
              %add3A_279 = vector.broadcast %add3A_278 : i32 to vector<16xi32>
              %add3A_280 = arith.addi %iota3A, %add3A_279 : vector<16xi32>
              %swap3A_281 = arith.constant 16 : index
              %swap3A_282 = tpu.vector_load %arg11[%swap3A_281] {strides = array<i32>} : memref<32xi32, #tpu.memory_space<vmem>>, vector<16xi32>,
              tpu.vector_store %arg11[%swap3A_281], %add3A_280 {strides = array<i32>} : memref<32xi32, #tpu.memory_space<vmem>>, vector<16xi32>,
            } else {
            }
            scf.yield %add3A_245 : i32
          }
          %while3A_171 = arith.constant 1 : i32
          %while3A_172 = scf.for %while3A_173 = %while3A_168 to %while3A_164 step %while3A_171 iter_args(%while3A_174 = %while3A_170) -> (i32)  : i32 {
            %broadcast_in_dim3A_175 = vector.broadcast %while3A_173 : i32 to vector<16xi32>
            %gather3A = tpu.vector_load_idx %arg12[%broadcast_in_dim3A_175] : memref<16xi32, #tpu.memory_space<vmem>>[vector<16xi32>], vector<16xi32>,
            %broadcast_in_dim3A_176 = vector.broadcast %while3A_173 : i32 to vector<16xi32>
            %gather3A_177 = tpu.vector_load_idx %arg13[%broadcast_in_dim3A_176] : memref<16xi32, #tpu.memory_space<vmem>>[vector<16xi32>], vector<16xi32>,
            %sub3A_178 = vector.broadcast %multiple_of3A_101 : i32 to vector<16xi32>
            %sub3A_179 = arith.subi %gather3A, %sub3A_178 : vector<16xi32>
            %jit3A_180 = arith.constant 32 : i32
            %eq3A_181 = arith.constant 0 : i32
            %eq3A_182 = arith.cmpi eq, %jit3A_180, %eq3A_181 : i32
            %jit3A_183 = arith.constant 1 : i32
            %select_n3A_184 = arith.select %eq3A_182, %jit3A_183, %jit3A_180 : i32
            %rem3A_185 = arith.remsi %while3A_174, %select_n3A_184 : i32
            %ne3A_186 = arith.constant 0 : i32
            %ne3A_187 = arith.cmpi ne, %rem3A_185, %ne3A_186 : i32
            %lt3A_188 = arith.constant 0 : i32
            %lt3A_189 = arith.cmpi slt, %rem3A_185, %lt3A_188 : i32
            %lt3A_190 = arith.constant 0 : i32
            %lt3A_191 = arith.cmpi slt, %select_n3A_184, %lt3A_190 : i32
            %ne3A_192 = arith.xori %lt3A_189, %lt3A_191 : i1
            %and3A_193 = arith.andi %ne3A_192, %ne3A_187 : i1
            %add3A_194 = arith.addi %rem3A_185, %select_n3A_184 : i32
            %select_n3A_195 = arith.select %and3A_193, %add3A_194, %rem3A_185 : i32
            %add3A_196 = arith.constant 0 : i32
            %add3A_197 = vector.broadcast %add3A_196 : i32 to vector<16xi32>
            %add3A_198 = arith.addi %iota3A, %add3A_197 : vector<16xi32>
            %gather3A_199 = arith.constant 0 : i32
            %gather3A_200 = arith.constant 0 : i32
            %gather3A_201 = tpu.memref_slice %arg9[%and3A_126, %gather3A_199, %gather3A_200] : memref<2x64x512xf32, #tpu.memory_space<vmem>> -> memref<1x64x512xf32, #tpu.memory_space<vmem>>
            %gather3A_202 = tpu.memref_squeeze %gather3A_201 : memref<1x64x512xf32, #tpu.memory_space<vmem>> -> memref<64x512xf32, #tpu.memory_space<vmem>>
            %gather3A_203 = tpu.vector_load_idx %gather3A_202[%add3A_198, %sub3A_179] : memref<64x512xf32, #tpu.memory_space<vmem>>[vector<16xi32>, vector<16xi32>], vector<16xf32>,
            %swap3A_204 = arith.index_cast %select_n3A_195 : i32 to index
            %swap3A_205 = arith.constant 0 : index
            %swap3A_206 = tpu.vector_load %arg10[%swap3A_204, %swap3A_205] {strides = array<i32>} : memref<32x128xf32, #tpu.memory_space<vmem>>, vector<16xf32>,
            tpu.vector_store %arg10[%swap3A_204, %swap3A_205], %gather3A_203 {strides = array<i32>} : memref<32x128xf32, #tpu.memory_space<vmem>>, vector<16xf32>,
            %add3A_207 = arith.constant 16 : i32
            %add3A_208 = vector.broadcast %add3A_207 : i32 to vector<16xi32>
            %add3A_209 = arith.addi %iota3A, %add3A_208 : vector<16xi32>
            %gather3A_210 = arith.constant 0 : i32
            %gather3A_211 = arith.constant 0 : i32
            %gather3A_212 = tpu.memref_slice %arg9[%and3A_126, %gather3A_210, %gather3A_211] : memref<2x64x512xf32, #tpu.memory_space<vmem>> -> memref<1x64x512xf32, #tpu.memory_space<vmem>>
            %gather3A_213 = tpu.memref_squeeze %gather3A_212 : memref<1x64x512xf32, #tpu.memory_space<vmem>> -> memref<64x512xf32, #tpu.memory_space<vmem>>
            %gather3A_214 = tpu.vector_load_idx %gather3A_213[%add3A_209, %sub3A_179] : memref<64x512xf32, #tpu.memory_space<vmem>>[vector<16xi32>, vector<16xi32>], vector<16xf32>,
            %swap3A_215 = arith.index_cast %select_n3A_195 : i32 to index
            %swap3A_216 = arith.constant 16 : index
            %swap3A_217 = tpu.vector_load %arg10[%swap3A_215, %swap3A_216] {strides = array<i32>} : memref<32x128xf32, #tpu.memory_space<vmem>>, vector<16xf32>,
            tpu.vector_store %arg10[%swap3A_215, %swap3A_216], %gather3A_214 {strides = array<i32>} : memref<32x128xf32, #tpu.memory_space<vmem>>, vector<16xf32>,
            %add3A_218 = arith.constant 32 : i32
            %add3A_219 = vector.broadcast %add3A_218 : i32 to vector<16xi32>
            %add3A_220 = arith.addi %iota3A, %add3A_219 : vector<16xi32>
            %gather3A_221 = arith.constant 0 : i32
            %gather3A_222 = arith.constant 0 : i32
            %gather3A_223 = tpu.memref_slice %arg9[%and3A_126, %gather3A_221, %gather3A_222] : memref<2x64x512xf32, #tpu.memory_space<vmem>> -> memref<1x64x512xf32, #tpu.memory_space<vmem>>
            %gather3A_224 = tpu.memref_squeeze %gather3A_223 : memref<1x64x512xf32, #tpu.memory_space<vmem>> -> memref<64x512xf32, #tpu.memory_space<vmem>>
            %gather3A_225 = tpu.vector_load_idx %gather3A_224[%add3A_220, %sub3A_179] : memref<64x512xf32, #tpu.memory_space<vmem>>[vector<16xi32>, vector<16xi32>], vector<16xf32>,
            %swap3A_226 = arith.index_cast %select_n3A_195 : i32 to index
            %swap3A_227 = arith.constant 32 : index
            %swap3A_228 = tpu.vector_load %arg10[%swap3A_226, %swap3A_227] {strides = array<i32>} : memref<32x128xf32, #tpu.memory_space<vmem>>, vector<16xf32>,
            tpu.vector_store %arg10[%swap3A_226, %swap3A_227], %gather3A_225 {strides = array<i32>} : memref<32x128xf32, #tpu.memory_space<vmem>>, vector<16xf32>,
            %add3A_229 = arith.constant 48 : i32
            %add3A_230 = vector.broadcast %add3A_229 : i32 to vector<16xi32>
            %add3A_231 = arith.addi %iota3A, %add3A_230 : vector<16xi32>
            %gather3A_232 = arith.constant 0 : i32
            %gather3A_233 = arith.constant 0 : i32
            %gather3A_234 = tpu.memref_slice %arg9[%and3A_126, %gather3A_232, %gather3A_233] : memref<2x64x512xf32, #tpu.memory_space<vmem>> -> memref<1x64x512xf32, #tpu.memory_space<vmem>>
            %gather3A_235 = tpu.memref_squeeze %gather3A_234 : memref<1x64x512xf32, #tpu.memory_space<vmem>> -> memref<64x512xf32, #tpu.memory_space<vmem>>
            %gather3A_236 = tpu.vector_load_idx %gather3A_235[%add3A_231, %sub3A_179] : memref<64x512xf32, #tpu.memory_space<vmem>>[vector<16xi32>, vector<16xi32>], vector<16xf32>,
            %swap3A_237 = arith.index_cast %select_n3A_195 : i32 to index
            %swap3A_238 = arith.constant 48 : index
            %swap3A_239 = tpu.vector_load %arg10[%swap3A_237, %swap3A_238] {strides = array<i32>} : memref<32x128xf32, #tpu.memory_space<vmem>>, vector<16xf32>,
            tpu.vector_store %arg10[%swap3A_237, %swap3A_238], %gather3A_236 {strides = array<i32>} : memref<32x128xf32, #tpu.memory_space<vmem>>, vector<16xf32>,
            %broadcast_in_dim3A_240 = vector.broadcast %select_n3A_195 : i32 to vector<16xi32>
            %eq3A_241 = arith.constant 0 : i32
            %eq3A_242 = vector.broadcast %eq3A_241 : i32 to vector<16xi32>
            %eq3A_243 = arith.cmpi eq, %iota3A, %eq3A_242 : vector<16xi32>
            tpu.vector_store_idx %arg11[%broadcast_in_dim3A_240], %gather3A_177 masked %eq3A_243 : memref<32xi32, #tpu.memory_space<vmem>>[vector<16xi32>], vector<16xi32>, vector<16xi1>
            %add3A_244 = arith.constant 1 : i32
            %add3A_245 = arith.addi %while3A_174, %add3A_244 : i32
            %jit3A_246 = arith.constant 32 : i32
            %eq3A_247 = arith.constant 0 : i32
            %eq3A_248 = arith.cmpi eq, %jit3A_246, %eq3A_247 : i32
            %jit3A_249 = arith.constant 1 : i32
            %select_n3A_250 = arith.select %eq3A_248, %jit3A_249, %jit3A_246 : i32
            %rem3A_251 = arith.remsi %add3A_245, %select_n3A_250 : i32
            %ne3A_252 = arith.constant 0 : i32
            %ne3A_253 = arith.cmpi ne, %rem3A_251, %ne3A_252 : i32
            %lt3A_254 = arith.constant 0 : i32
            %lt3A_255 = arith.cmpi slt, %rem3A_251, %lt3A_254 : i32
            %lt3A_256 = arith.constant 0 : i32
            %lt3A_257 = arith.cmpi slt, %select_n3A_250, %lt3A_256 : i32
            %ne3A_258 = arith.xori %lt3A_255, %lt3A_257 : i1
            %and3A_259 = arith.andi %ne3A_258, %ne3A_253 : i1
            %add3A_260 = arith.addi %rem3A_251, %select_n3A_250 : i32
            %select_n3A_261 = arith.select %and3A_259, %add3A_260, %rem3A_251 : i32
            %eq3A_262 = arith.constant 0 : i32
            %eq3A_263 = arith.cmpi eq, %select_n3A_261, %eq3A_262 : i32
            %convert_element_type3A_264 = arith.extui %eq3A_263 : i1 to i32
            %cond3A_265 = arith.constant 0 : i32
            %cond3A_266 = arith.cmpi ne, %convert_element_type3A_264, %cond3A_265 : i32
            scf.if %cond3A_266 {
              %dma_start3A_267 = arith.constant 0 : i32
              %dma_start3A_268 = arith.constant 0 : i32
              %dma_start3A_269 = tpu.memref_slice %arg5[%dma_start3A_267, %dma_start3A_268] : memref<16400x128xf32, #tpu.memory_space<hbm>> -> memref<16400x128xf32, #tpu.memory_space<hbm>>
              tpu.enqueue_indirect_dma source(%arg10 : memref<32x128xf32, #tpu.memory_space<vmem>>) target(%dma_start3A_269 : memref<16400x128xf32, #tpu.memory_space<hbm>>) offsets(%arg11 : memref<32xi32, #tpu.memory_space<vmem>>) semaphore(%arg15 : memref<!tpu.dma_semaphore, #tpu.memory_space<semaphore_mem>>)
              %dma_wait3A_270 = arith.constant 0 : i32
              %dma_wait3A_271 = arith.constant 0 : i32
              %dma_wait3A_272 = tpu.memref_slice %arg5[%dma_wait3A_270, %dma_wait3A_271] : memref<16400x128xf32, #tpu.memory_space<hbm>> -> memref<16400x128xf32, #tpu.memory_space<hbm>>
              tpu.wait_indirect_dma semaphore(%arg15 : memref<!tpu.dma_semaphore, #tpu.memory_space<semaphore_mem>>) src(%arg10 : memref<32x128xf32, #tpu.memory_space<vmem>>) dst(%dma_wait3A_272 : memref<16400x128xf32, #tpu.memory_space<hbm>>)
              %add3A_273 = arith.constant 16384 : i32
              %add3A_274 = vector.broadcast %add3A_273 : i32 to vector<16xi32>
              %add3A_275 = arith.addi %iota3A, %add3A_274 : vector<16xi32>
              %swap3A_276 = arith.constant 0 : index
              %swap3A_277 = tpu.vector_load %arg11[%swap3A_276] {strides = array<i32>} : memref<32xi32, #tpu.memory_space<vmem>>, vector<16xi32>,
              tpu.vector_store %arg11[%swap3A_276], %add3A_275 {strides = array<i32>} : memref<32xi32, #tpu.memory_space<vmem>>, vector<16xi32>,
              %add3A_278 = arith.constant 16384 : i32
              %add3A_279 = vector.broadcast %add3A_278 : i32 to vector<16xi32>
              %add3A_280 = arith.addi %iota3A, %add3A_279 : vector<16xi32>
              %swap3A_281 = arith.constant 16 : index
              %swap3A_282 = tpu.vector_load %arg11[%swap3A_281] {strides = array<i32>} : memref<32xi32, #tpu.memory_space<vmem>>, vector<16xi32>,
              tpu.vector_store %arg11[%swap3A_281], %add3A_280 {strides = array<i32>} : memref<32xi32, #tpu.memory_space<vmem>>, vector<16xi32>,
            } else {
            }
            scf.yield %add3A_245 : i32
          }
          scf.yield %while3A_172 : i32
        } else {
          scf.yield %while3A_139 : i32
        }
        scf.yield %cond3A_153 : i32
      }
      %while3A_136 = arith.constant 1 : i32
      %while3A_137 = scf.for %while3A_138 = %while3A_133 to %while3A_129 step %while3A_136 iter_args(%while3A_139 = %while3A_135) -> (i32)  : i32 {
        %mul3A_140 = arith.constant 16 : i32
        %mul3A_141 = arith.muli %while3A_138, %mul3A_140 : i32
        %get3A = arith.index_cast %mul3A_141 : i32 to index
        %get3A_142 = tpu.vector_load %arg7[%get3A] {strides = array<i32>} : memref<16400xi32, #tpu.memory_space<vmem>>, vector<16xi32>,
        %ge3A = vector.broadcast %multiple_of3A_101 : i32 to vector<16xi32>
        %ge3A_143 = arith.cmpi sge, %get3A_142, %ge3A : vector<16xi32>
        %add3A_144 = arith.constant 512 : i32
        %add3A_145 = arith.addi %multiple_of3A_101, %add3A_144 : i32
        %lt3A_146 = vector.broadcast %add3A_145 : i32 to vector<16xi32>
        %lt3A_147 = arith.cmpi slt, %get3A_142, %lt3A_146 : vector<16xi32>
        %and3A_148 = arith.andi %ge3A_143, %lt3A_147 : vector<16xi1>
        %all_reduce_population_count3A = tpu.all_reduce %and3A_148 {dim = 0 : i64, kind = #tpu.reduction_kind<sum>} : vector<16xi1> -> vector<16xi32>
        %slice3A = vector.extract_strided_slice %all_reduce_population_count3A {offsets = [0], sizes = [1], strides = [1]} : vector<16xi32> to vector<1xi32>
        %squeeze3A = vector.extract %slice3A[0] : i32 from vector<1xi32>
        %gt3A = arith.constant 0 : i32
        %gt3A_149 = arith.cmpi sgt, %squeeze3A, %gt3A : i32
        %convert_element_type3A_150 = arith.extui %gt3A_149 : i1 to i32
        %cond3A_151 = arith.constant 0 : i32
        %cond3A_152 = arith.cmpi ne, %convert_element_type3A_150, %cond3A_151 : i32
        %cond3A_153 = scf.if %cond3A_152 -> (i32) {
          %mul3A_154 = arith.constant 16 : i32
          %mul3A_155 = arith.muli %while3A_138, %mul3A_154 : i32
          %get3A_156 = arith.index_cast %mul3A_155 : i32 to index
          %get3A_157 = tpu.vector_load %arg8[%get3A_156] {strides = array<i32>} : memref<16400xi32, #tpu.memory_space<vmem>>, vector<16xi32>,
          %swap3A_158 = arith.constant 0 : index
          %swap3A_159 = tpu.vector_load %arg12[%swap3A_158] masked %and3A_148 {strides = array<i32>} : memref<16xi32, #tpu.memory_space<vmem>>, vector<16xi32>, vector<16xi1>
          tpu.vector_store %arg12[%swap3A_158], %get3A_142 masked %and3A_148 {strides = array<i32>} : memref<16xi32, #tpu.memory_space<vmem>>, vector<16xi32>, vector<16xi1>
          %swap3A_160 = arith.constant 0 : index
          %swap3A_161 = tpu.vector_load %arg13[%swap3A_160] masked %and3A_148 {strides = array<i32>} : memref<16xi32, #tpu.memory_space<vmem>>, vector<16xi32>, vector<16xi1>
          tpu.vector_store %arg13[%swap3A_160], %get3A_157 masked %and3A_148 {strides = array<i32>} : memref<16xi32, #tpu.memory_space<vmem>>, vector<16xi32>, vector<16xi1>
          %while3A_162 = arith.constant 0 : i32
          %while3A_163 = arith.subi %squeeze3A, %while3A_162 : i32
          %while3A_164 = arith.addi %while3A_162, %while3A_163 : i32
          %while3A_165 = arith.constant 1 : i32
          %while3A_166 = arith.divsi %while3A_163, %while3A_165 : i32
          %while3A_167 = arith.muli %while3A_166, %while3A_165 : i32
          %while3A_168 = arith.addi %while3A_162, %while3A_167 : i32
          %while3A_169 = arith.constant 1 : i32
          %while3A_170 = scf.for %while3A_173 = %while3A_162 to %while3A_168 step %while3A_169 iter_args(%while3A_174 = %while3A_139) -> (i32)  : i32 {
            %broadcast_in_dim3A_175 = vector.broadcast %while3A_173 : i32 to vector<16xi32>
            %gather3A = tpu.vector_load_idx %arg12[%broadcast_in_dim3A_175] : memref<16xi32, #tpu.memory_space<vmem>>[vector<16xi32>], vector<16xi32>,
            %broadcast_in_dim3A_176 = vector.broadcast %while3A_173 : i32 to vector<16xi32>
            %gather3A_177 = tpu.vector_load_idx %arg13[%broadcast_in_dim3A_176] : memref<16xi32, #tpu.memory_space<vmem>>[vector<16xi32>], vector<16xi32>,
            %sub3A_178 = vector.broadcast %multiple_of3A_101 : i32 to vector<16xi32>
            %sub3A_179 = arith.subi %gather3A, %sub3A_178 : vector<16xi32>
            %jit3A_180 = arith.constant 32 : i32
            %eq3A_181 = arith.constant 0 : i32
            %eq3A_182 = arith.cmpi eq, %jit3A_180, %eq3A_181 : i32
            %jit3A_183 = arith.constant 1 : i32
            %select_n3A_184 = arith.select %eq3A_182, %jit3A_183, %jit3A_180 : i32
            %rem3A_185 = arith.remsi %while3A_174, %select_n3A_184 : i32
            %ne3A_186 = arith.constant 0 : i32
            %ne3A_187 = arith.cmpi ne, %rem3A_185, %ne3A_186 : i32
            %lt3A_188 = arith.constant 0 : i32
            %lt3A_189 = arith.cmpi slt, %rem3A_185, %lt3A_188 : i32
            %lt3A_190 = arith.constant 0 : i32
            %lt3A_191 = arith.cmpi slt, %select_n3A_184, %lt3A_190 : i32
            %ne3A_192 = arith.xori %lt3A_189, %lt3A_191 : i1
            %and3A_193 = arith.andi %ne3A_192, %ne3A_187 : i1
            %add3A_194 = arith.addi %rem3A_185, %select_n3A_184 : i32
            %select_n3A_195 = arith.select %and3A_193, %add3A_194, %rem3A_185 : i32
            %add3A_196 = arith.constant 0 : i32
            %add3A_197 = vector.broadcast %add3A_196 : i32 to vector<16xi32>
            %add3A_198 = arith.addi %iota3A, %add3A_197 : vector<16xi32>
            %gather3A_199 = arith.constant 0 : i32
            %gather3A_200 = arith.constant 0 : i32
            %gather3A_201 = tpu.memref_slice %arg9[%and3A_126, %gather3A_199, %gather3A_200] : memref<2x64x512xf32, #tpu.memory_space<vmem>> -> memref<1x64x512xf32, #tpu.memory_space<vmem>>
            %gather3A_202 = tpu.memref_squeeze %gather3A_201 : memref<1x64x512xf32, #tpu.memory_space<vmem>> -> memref<64x512xf32, #tpu.memory_space<vmem>>
            %gather3A_203 = tpu.vector_load_idx %gather3A_202[%add3A_198, %sub3A_179] : memref<64x512xf32, #tpu.memory_space<vmem>>[vector<16xi32>, vector<16xi32>], vector<16xf32>,
            %swap3A_204 = arith.index_cast %select_n3A_195 : i32 to index
            %swap3A_205 = arith.constant 0 : index
            %swap3A_206 = tpu.vector_load %arg10[%swap3A_204, %swap3A_205] {strides = array<i32>} : memref<32x128xf32, #tpu.memory_space<vmem>>, vector<16xf32>,
            tpu.vector_store %arg10[%swap3A_204, %swap3A_205], %gather3A_203 {strides = array<i32>} : memref<32x128xf32, #tpu.memory_space<vmem>>, vector<16xf32>,
            %add3A_207 = arith.constant 16 : i32
            %add3A_208 = vector.broadcast %add3A_207 : i32 to vector<16xi32>
            %add3A_209 = arith.addi %iota3A, %add3A_208 : vector<16xi32>
            %gather3A_210 = arith.constant 0 : i32
            %gather3A_211 = arith.constant 0 : i32
            %gather3A_212 = tpu.memref_slice %arg9[%and3A_126, %gather3A_210, %gather3A_211] : memref<2x64x512xf32, #tpu.memory_space<vmem>> -> memref<1x64x512xf32, #tpu.memory_space<vmem>>
            %gather3A_213 = tpu.memref_squeeze %gather3A_212 : memref<1x64x512xf32, #tpu.memory_space<vmem>> -> memref<64x512xf32, #tpu.memory_space<vmem>>
            %gather3A_214 = tpu.vector_load_idx %gather3A_213[%add3A_209, %sub3A_179] : memref<64x512xf32, #tpu.memory_space<vmem>>[vector<16xi32>, vector<16xi32>], vector<16xf32>,
            %swap3A_215 = arith.index_cast %select_n3A_195 : i32 to index
            %swap3A_216 = arith.constant 16 : index
            %swap3A_217 = tpu.vector_load %arg10[%swap3A_215, %swap3A_216] {strides = array<i32>} : memref<32x128xf32, #tpu.memory_space<vmem>>, vector<16xf32>,
            tpu.vector_store %arg10[%swap3A_215, %swap3A_216], %gather3A_214 {strides = array<i32>} : memref<32x128xf32, #tpu.memory_space<vmem>>, vector<16xf32>,
            %add3A_218 = arith.constant 32 : i32
            %add3A_219 = vector.broadcast %add3A_218 : i32 to vector<16xi32>
            %add3A_220 = arith.addi %iota3A, %add3A_219 : vector<16xi32>
            %gather3A_221 = arith.constant 0 : i32
            %gather3A_222 = arith.constant 0 : i32
            %gather3A_223 = tpu.memref_slice %arg9[%and3A_126, %gather3A_221, %gather3A_222] : memref<2x64x512xf32, #tpu.memory_space<vmem>> -> memref<1x64x512xf32, #tpu.memory_space<vmem>>
            %gather3A_224 = tpu.memref_squeeze %gather3A_223 : memref<1x64x512xf32, #tpu.memory_space<vmem>> -> memref<64x512xf32, #tpu.memory_space<vmem>>
            %gather3A_225 = tpu.vector_load_idx %gather3A_224[%add3A_220, %sub3A_179] : memref<64x512xf32, #tpu.memory_space<vmem>>[vector<16xi32>, vector<16xi32>], vector<16xf32>,
            %swap3A_226 = arith.index_cast %select_n3A_195 : i32 to index
            %swap3A_227 = arith.constant 32 : index
            %swap3A_228 = tpu.vector_load %arg10[%swap3A_226, %swap3A_227] {strides = array<i32>} : memref<32x128xf32, #tpu.memory_space<vmem>>, vector<16xf32>,
            tpu.vector_store %arg10[%swap3A_226, %swap3A_227], %gather3A_225 {strides = array<i32>} : memref<32x128xf32, #tpu.memory_space<vmem>>, vector<16xf32>,
            %add3A_229 = arith.constant 48 : i32
            %add3A_230 = vector.broadcast %add3A_229 : i32 to vector<16xi32>
            %add3A_231 = arith.addi %iota3A, %add3A_230 : vector<16xi32>
            %gather3A_232 = arith.constant 0 : i32
            %gather3A_233 = arith.constant 0 : i32
            %gather3A_234 = tpu.memref_slice %arg9[%and3A_126, %gather3A_232, %gather3A_233] : memref<2x64x512xf32, #tpu.memory_space<vmem>> -> memref<1x64x512xf32, #tpu.memory_space<vmem>>
            %gather3A_235 = tpu.memref_squeeze %gather3A_234 : memref<1x64x512xf32, #tpu.memory_space<vmem>> -> memref<64x512xf32, #tpu.memory_space<vmem>>
            %gather3A_236 = tpu.vector_load_idx %gather3A_235[%add3A_231, %sub3A_179] : memref<64x512xf32, #tpu.memory_space<vmem>>[vector<16xi32>, vector<16xi32>], vector<16xf32>,
            %swap3A_237 = arith.index_cast %select_n3A_195 : i32 to index
            %swap3A_238 = arith.constant 48 : index
            %swap3A_239 = tpu.vector_load %arg10[%swap3A_237, %swap3A_238] {strides = array<i32>} : memref<32x128xf32, #tpu.memory_space<vmem>>, vector<16xf32>,
            tpu.vector_store %arg10[%swap3A_237, %swap3A_238], %gather3A_236 {strides = array<i32>} : memref<32x128xf32, #tpu.memory_space<vmem>>, vector<16xf32>,
            %broadcast_in_dim3A_240 = vector.broadcast %select_n3A_195 : i32 to vector<16xi32>
            %eq3A_241 = arith.constant 0 : i32
            %eq3A_242 = vector.broadcast %eq3A_241 : i32 to vector<16xi32>
            %eq3A_243 = arith.cmpi eq, %iota3A, %eq3A_242 : vector<16xi32>
            tpu.vector_store_idx %arg11[%broadcast_in_dim3A_240], %gather3A_177 masked %eq3A_243 : memref<32xi32, #tpu.memory_space<vmem>>[vector<16xi32>], vector<16xi32>, vector<16xi1>
            %add3A_244 = arith.constant 1 : i32
            %add3A_245 = arith.addi %while3A_174, %add3A_244 : i32
            %jit3A_246 = arith.constant 32 : i32
            %eq3A_247 = arith.constant 0 : i32
            %eq3A_248 = arith.cmpi eq, %jit3A_246, %eq3A_247 : i32
            %jit3A_249 = arith.constant 1 : i32
            %select_n3A_250 = arith.select %eq3A_248, %jit3A_249, %jit3A_246 : i32
            %rem3A_251 = arith.remsi %add3A_245, %select_n3A_250 : i32
            %ne3A_252 = arith.constant 0 : i32
            %ne3A_253 = arith.cmpi ne, %rem3A_251, %ne3A_252 : i32
            %lt3A_254 = arith.constant 0 : i32
            %lt3A_255 = arith.cmpi slt, %rem3A_251, %lt3A_254 : i32
            %lt3A_256 = arith.constant 0 : i32
            %lt3A_257 = arith.cmpi slt, %select_n3A_250, %lt3A_256 : i32
            %ne3A_258 = arith.xori %lt3A_255, %lt3A_257 : i1
            %and3A_259 = arith.andi %ne3A_258, %ne3A_253 : i1
            %add3A_260 = arith.addi %rem3A_251, %select_n3A_250 : i32
            %select_n3A_261 = arith.select %and3A_259, %add3A_260, %rem3A_251 : i32
            %eq3A_262 = arith.constant 0 : i32
            %eq3A_263 = arith.cmpi eq, %select_n3A_261, %eq3A_262 : i32
            %convert_element_type3A_264 = arith.extui %eq3A_263 : i1 to i32
            %cond3A_265 = arith.constant 0 : i32
            %cond3A_266 = arith.cmpi ne, %convert_element_type3A_264, %cond3A_265 : i32
            scf.if %cond3A_266 {
              %dma_start3A_267 = arith.constant 0 : i32
              %dma_start3A_268 = arith.constant 0 : i32
              %dma_start3A_269 = tpu.memref_slice %arg5[%dma_start3A_267, %dma_start3A_268] : memref<16400x128xf32, #tpu.memory_space<hbm>> -> memref<16400x128xf32, #tpu.memory_space<hbm>>
              tpu.enqueue_indirect_dma source(%arg10 : memref<32x128xf32, #tpu.memory_space<vmem>>) target(%dma_start3A_269 : memref<16400x128xf32, #tpu.memory_space<hbm>>) offsets(%arg11 : memref<32xi32, #tpu.memory_space<vmem>>) semaphore(%arg15 : memref<!tpu.dma_semaphore, #tpu.memory_space<semaphore_mem>>)
              %dma_wait3A_270 = arith.constant 0 : i32
              %dma_wait3A_271 = arith.constant 0 : i32
              %dma_wait3A_272 = tpu.memref_slice %arg5[%dma_wait3A_270, %dma_wait3A_271] : memref<16400x128xf32, #tpu.memory_space<hbm>> -> memref<16400x128xf32, #tpu.memory_space<hbm>>
              tpu.wait_indirect_dma semaphore(%arg15 : memref<!tpu.dma_semaphore, #tpu.memory_space<semaphore_mem>>) src(%arg10 : memref<32x128xf32, #tpu.memory_space<vmem>>) dst(%dma_wait3A_272 : memref<16400x128xf32, #tpu.memory_space<hbm>>)
              %add3A_273 = arith.constant 16384 : i32
              %add3A_274 = vector.broadcast %add3A_273 : i32 to vector<16xi32>
              %add3A_275 = arith.addi %iota3A, %add3A_274 : vector<16xi32>
              %swap3A_276 = arith.constant 0 : index
              %swap3A_277 = tpu.vector_load %arg11[%swap3A_276] {strides = array<i32>} : memref<32xi32, #tpu.memory_space<vmem>>, vector<16xi32>,
              tpu.vector_store %arg11[%swap3A_276], %add3A_275 {strides = array<i32>} : memref<32xi32, #tpu.memory_space<vmem>>, vector<16xi32>,
              %add3A_278 = arith.constant 16384 : i32
              %add3A_279 = vector.broadcast %add3A_278 : i32 to vector<16xi32>
              %add3A_280 = arith.addi %iota3A, %add3A_279 : vector<16xi32>
              %swap3A_281 = arith.constant 16 : index
              %swap3A_282 = tpu.vector_load %arg11[%swap3A_281] {strides = array<i32>} : memref<32xi32, #tpu.memory_space<vmem>>, vector<16xi32>,
              tpu.vector_store %arg11[%swap3A_281], %add3A_280 {strides = array<i32>} : memref<32xi32, #tpu.memory_space<vmem>>, vector<16xi32>,
            } else {
            }
            scf.yield %add3A_245 : i32
          }
          %while3A_171 = arith.constant 1 : i32
          %while3A_172 = scf.for %while3A_173 = %while3A_168 to %while3A_164 step %while3A_171 iter_args(%while3A_174 = %while3A_170) -> (i32)  : i32 {
            %broadcast_in_dim3A_175 = vector.broadcast %while3A_173 : i32 to vector<16xi32>
            %gather3A = tpu.vector_load_idx %arg12[%broadcast_in_dim3A_175] : memref<16xi32, #tpu.memory_space<vmem>>[vector<16xi32>], vector<16xi32>,
            %broadcast_in_dim3A_176 = vector.broadcast %while3A_173 : i32 to vector<16xi32>
            %gather3A_177 = tpu.vector_load_idx %arg13[%broadcast_in_dim3A_176] : memref<16xi32, #tpu.memory_space<vmem>>[vector<16xi32>], vector<16xi32>,
            %sub3A_178 = vector.broadcast %multiple_of3A_101 : i32 to vector<16xi32>
            %sub3A_179 = arith.subi %gather3A, %sub3A_178 : vector<16xi32>
            %jit3A_180 = arith.constant 32 : i32
            %eq3A_181 = arith.constant 0 : i32
            %eq3A_182 = arith.cmpi eq, %jit3A_180, %eq3A_181 : i32
            %jit3A_183 = arith.constant 1 : i32
            %select_n3A_184 = arith.select %eq3A_182, %jit3A_183, %jit3A_180 : i32
            %rem3A_185 = arith.remsi %while3A_174, %select_n3A_184 : i32
            %ne3A_186 = arith.constant 0 : i32
            %ne3A_187 = arith.cmpi ne, %rem3A_185, %ne3A_186 : i32
            %lt3A_188 = arith.constant 0 : i32
            %lt3A_189 = arith.cmpi slt, %rem3A_185, %lt3A_188 : i32
            %lt3A_190 = arith.constant 0 : i32
            %lt3A_191 = arith.cmpi slt, %select_n3A_184, %lt3A_190 : i32
            %ne3A_192 = arith.xori %lt3A_189, %lt3A_191 : i1
            %and3A_193 = arith.andi %ne3A_192, %ne3A_187 : i1
            %add3A_194 = arith.addi %rem3A_185, %select_n3A_184 : i32
            %select_n3A_195 = arith.select %and3A_193, %add3A_194, %rem3A_185 : i32
            %add3A_196 = arith.constant 0 : i32
            %add3A_197 = vector.broadcast %add3A_196 : i32 to vector<16xi32>
            %add3A_198 = arith.addi %iota3A, %add3A_197 : vector<16xi32>
            %gather3A_199 = arith.constant 0 : i32
            %gather3A_200 = arith.constant 0 : i32
            %gather3A_201 = tpu.memref_slice %arg9[%and3A_126, %gather3A_199, %gather3A_200] : memref<2x64x512xf32, #tpu.memory_space<vmem>> -> memref<1x64x512xf32, #tpu.memory_space<vmem>>
            %gather3A_202 = tpu.memref_squeeze %gather3A_201 : memref<1x64x512xf32, #tpu.memory_space<vmem>> -> memref<64x512xf32, #tpu.memory_space<vmem>>
            %gather3A_203 = tpu.vector_load_idx %gather3A_202[%add3A_198, %sub3A_179] : memref<64x512xf32, #tpu.memory_space<vmem>>[vector<16xi32>, vector<16xi32>], vector<16xf32>,
            %swap3A_204 = arith.index_cast %select_n3A_195 : i32 to index
            %swap3A_205 = arith.constant 0 : index
            %swap3A_206 = tpu.vector_load %arg10[%swap3A_204, %swap3A_205] {strides = array<i32>} : memref<32x128xf32, #tpu.memory_space<vmem>>, vector<16xf32>,
            tpu.vector_store %arg10[%swap3A_204, %swap3A_205], %gather3A_203 {strides = array<i32>} : memref<32x128xf32, #tpu.memory_space<vmem>>, vector<16xf32>,
            %add3A_207 = arith.constant 16 : i32
            %add3A_208 = vector.broadcast %add3A_207 : i32 to vector<16xi32>
            %add3A_209 = arith.addi %iota3A, %add3A_208 : vector<16xi32>
            %gather3A_210 = arith.constant 0 : i32
            %gather3A_211 = arith.constant 0 : i32
            %gather3A_212 = tpu.memref_slice %arg9[%and3A_126, %gather3A_210, %gather3A_211] : memref<2x64x512xf32, #tpu.memory_space<vmem>> -> memref<1x64x512xf32, #tpu.memory_space<vmem>>
            %gather3A_213 = tpu.memref_squeeze %gather3A_212 : memref<1x64x512xf32, #tpu.memory_space<vmem>> -> memref<64x512xf32, #tpu.memory_space<vmem>>
            %gather3A_214 = tpu.vector_load_idx %gather3A_213[%add3A_209, %sub3A_179] : memref<64x512xf32, #tpu.memory_space<vmem>>[vector<16xi32>, vector<16xi32>], vector<16xf32>,
            %swap3A_215 = arith.index_cast %select_n3A_195 : i32 to index
            %swap3A_216 = arith.constant 16 : index
            %swap3A_217 = tpu.vector_load %arg10[%swap3A_215, %swap3A_216] {strides = array<i32>} : memref<32x128xf32, #tpu.memory_space<vmem>>, vector<16xf32>,
            tpu.vector_store %arg10[%swap3A_215, %swap3A_216], %gather3A_214 {strides = array<i32>} : memref<32x128xf32, #tpu.memory_space<vmem>>, vector<16xf32>,
            %add3A_218 = arith.constant 32 : i32
            %add3A_219 = vector.broadcast %add3A_218 : i32 to vector<16xi32>
            %add3A_220 = arith.addi %iota3A, %add3A_219 : vector<16xi32>
            %gather3A_221 = arith.constant 0 : i32
            %gather3A_222 = arith.constant 0 : i32
            %gather3A_223 = tpu.memref_slice %arg9[%and3A_126, %gather3A_221, %gather3A_222] : memref<2x64x512xf32, #tpu.memory_space<vmem>> -> memref<1x64x512xf32, #tpu.memory_space<vmem>>
            %gather3A_224 = tpu.memref_squeeze %gather3A_223 : memref<1x64x512xf32, #tpu.memory_space<vmem>> -> memref<64x512xf32, #tpu.memory_space<vmem>>
            %gather3A_225 = tpu.vector_load_idx %gather3A_224[%add3A_220, %sub3A_179] : memref<64x512xf32, #tpu.memory_space<vmem>>[vector<16xi32>, vector<16xi32>], vector<16xf32>,
            %swap3A_226 = arith.index_cast %select_n3A_195 : i32 to index
            %swap3A_227 = arith.constant 32 : index
            %swap3A_228 = tpu.vector_load %arg10[%swap3A_226, %swap3A_227] {strides = array<i32>} : memref<32x128xf32, #tpu.memory_space<vmem>>, vector<16xf32>,
            tpu.vector_store %arg10[%swap3A_226, %swap3A_227], %gather3A_225 {strides = array<i32>} : memref<32x128xf32, #tpu.memory_space<vmem>>, vector<16xf32>,
            %add3A_229 = arith.constant 48 : i32
            %add3A_230 = vector.broadcast %add3A_229 : i32 to vector<16xi32>
            %add3A_231 = arith.addi %iota3A, %add3A_230 : vector<16xi32>
            %gather3A_232 = arith.constant 0 : i32
            %gather3A_233 = arith.constant 0 : i32
            %gather3A_234 = tpu.memref_slice %arg9[%and3A_126, %gather3A_232, %gather3A_233] : memref<2x64x512xf32, #tpu.memory_space<vmem>> -> memref<1x64x512xf32, #tpu.memory_space<vmem>>
            %gather3A_235 = tpu.memref_squeeze %gather3A_234 : memref<1x64x512xf32, #tpu.memory_space<vmem>> -> memref<64x512xf32, #tpu.memory_space<vmem>>
            %gather3A_236 = tpu.vector_load_idx %gather3A_235[%add3A_231, %sub3A_179] : memref<64x512xf32, #tpu.memory_space<vmem>>[vector<16xi32>, vector<16xi32>], vector<16xf32>,
            %swap3A_237 = arith.index_cast %select_n3A_195 : i32 to index
            %swap3A_238 = arith.constant 48 : index
            %swap3A_239 = tpu.vector_load %arg10[%swap3A_237, %swap3A_238] {strides = array<i32>} : memref<32x128xf32, #tpu.memory_space<vmem>>, vector<16xf32>,
            tpu.vector_store %arg10[%swap3A_237, %swap3A_238], %gather3A_236 {strides = array<i32>} : memref<32x128xf32, #tpu.memory_space<vmem>>, vector<16xf32>,
            %broadcast_in_dim3A_240 = vector.broadcast %select_n3A_195 : i32 to vector<16xi32>
            %eq3A_241 = arith.constant 0 : i32
            %eq3A_242 = vector.broadcast %eq3A_241 : i32 to vector<16xi32>
            %eq3A_243 = arith.cmpi eq, %iota3A, %eq3A_242 : vector<16xi32>
            tpu.vector_store_idx %arg11[%broadcast_in_dim3A_240], %gather3A_177 masked %eq3A_243 : memref<32xi32, #tpu.memory_space<vmem>>[vector<16xi32>], vector<16xi32>, vector<16xi1>
            %add3A_244 = arith.constant 1 : i32
            %add3A_245 = arith.addi %while3A_174, %add3A_244 : i32
            %jit3A_246 = arith.constant 32 : i32
            %eq3A_247 = arith.constant 0 : i32
            %eq3A_248 = arith.cmpi eq, %jit3A_246, %eq3A_247 : i32
            %jit3A_249 = arith.constant 1 : i32
            %select_n3A_250 = arith.select %eq3A_248, %jit3A_249, %jit3A_246 : i32
            %rem3A_251 = arith.remsi %add3A_245, %select_n3A_250 : i32
            %ne3A_252 = arith.constant 0 : i32
            %ne3A_253 = arith.cmpi ne, %rem3A_251, %ne3A_252 : i32
            %lt3A_254 = arith.constant 0 : i32
            %lt3A_255 = arith.cmpi slt, %rem3A_251, %lt3A_254 : i32
            %lt3A_256 = arith.constant 0 : i32
            %lt3A_257 = arith.cmpi slt, %select_n3A_250, %lt3A_256 : i32
            %ne3A_258 = arith.xori %lt3A_255, %lt3A_257 : i1
            %and3A_259 = arith.andi %ne3A_258, %ne3A_253 : i1
            %add3A_260 = arith.addi %rem3A_251, %select_n3A_250 : i32
            %select_n3A_261 = arith.select %and3A_259, %add3A_260, %rem3A_251 : i32
            %eq3A_262 = arith.constant 0 : i32
            %eq3A_263 = arith.cmpi eq, %select_n3A_261, %eq3A_262 : i32
            %convert_element_type3A_264 = arith.extui %eq3A_263 : i1 to i32
            %cond3A_265 = arith.constant 0 : i32
            %cond3A_266 = arith.cmpi ne, %convert_element_type3A_264, %cond3A_265 : i32
            scf.if %cond3A_266 {
              %dma_start3A_267 = arith.constant 0 : i32
              %dma_start3A_268 = arith.constant 0 : i32
              %dma_start3A_269 = tpu.memref_slice %arg5[%dma_start3A_267, %dma_start3A_268] : memref<16400x128xf32, #tpu.memory_space<hbm>> -> memref<16400x128xf32, #tpu.memory_space<hbm>>
              tpu.enqueue_indirect_dma source(%arg10 : memref<32x128xf32, #tpu.memory_space<vmem>>) target(%dma_start3A_269 : memref<16400x128xf32, #tpu.memory_space<hbm>>) offsets(%arg11 : memref<32xi32, #tpu.memory_space<vmem>>) semaphore(%arg15 : memref<!tpu.dma_semaphore, #tpu.memory_space<semaphore_mem>>)
              %dma_wait3A_270 = arith.constant 0 : i32
              %dma_wait3A_271 = arith.constant 0 : i32
              %dma_wait3A_272 = tpu.memref_slice %arg5[%dma_wait3A_270, %dma_wait3A_271] : memref<16400x128xf32, #tpu.memory_space<hbm>> -> memref<16400x128xf32, #tpu.memory_space<hbm>>
              tpu.wait_indirect_dma semaphore(%arg15 : memref<!tpu.dma_semaphore, #tpu.memory_space<semaphore_mem>>) src(%arg10 : memref<32x128xf32, #tpu.memory_space<vmem>>) dst(%dma_wait3A_272 : memref<16400x128xf32, #tpu.memory_space<hbm>>)
              %add3A_273 = arith.constant 16384 : i32
              %add3A_274 = vector.broadcast %add3A_273 : i32 to vector<16xi32>
              %add3A_275 = arith.addi %iota3A, %add3A_274 : vector<16xi32>
              %swap3A_276 = arith.constant 0 : index
              %swap3A_277 = tpu.vector_load %arg11[%swap3A_276] {strides = array<i32>} : memref<32xi32, #tpu.memory_space<vmem>>, vector<16xi32>,
              tpu.vector_store %arg11[%swap3A_276], %add3A_275 {strides = array<i32>} : memref<32xi32, #tpu.memory_space<vmem>>, vector<16xi32>,
              %add3A_278 = arith.constant 16384 : i32
              %add3A_279 = vector.broadcast %add3A_278 : i32 to vector<16xi32>
              %add3A_280 = arith.addi %iota3A, %add3A_279 : vector<16xi32>
              %swap3A_281 = arith.constant 16 : index
              %swap3A_282 = tpu.vector_load %arg11[%swap3A_281] {strides = array<i32>} : memref<32xi32, #tpu.memory_space<vmem>>, vector<16xi32>,
              tpu.vector_store %arg11[%swap3A_281], %add3A_280 {strides = array<i32>} : memref<32xi32, #tpu.memory_space<vmem>>, vector<16xi32>,
            } else {
            }
            scf.yield %add3A_245 : i32
          }
          scf.yield %while3A_172 : i32
        } else {
          scf.yield %while3A_139 : i32
        }
        scf.yield %cond3A_153 : i32
      }
      scf.yield %while3A_137 : i32
    }
    %eq3A_78 = arith.constant 31 : i32
    %eq3A_79 = arith.cmpi eq, %add3A, %eq3A_78 : i32
    %convert_element_type3A = arith.extui %eq3A_79 : i1 to i32
    %cond3A = arith.constant 0 : i32
    %cond3A_80 = arith.cmpi ne, %convert_element_type3A, %cond3A : i32
    scf.if %cond3A_80 {
      "tpu.region"() ({
        %run_scoped3A = tpu.sem_alloc : memref<!tpu.dma_semaphore, #tpu.memory_space<semaphore_mem>>
        tpu.enqueue_dma source(%arg4 : memref<64x64xf32, #tpu.memory_space<hbm>>) target(%arg14 : memref<64x64xf32, #tpu.memory_space<vmem>>) target_semaphore(%run_scoped3A : memref<!tpu.dma_semaphore, #tpu.memory_space<semaphore_mem>>)
        tpu.wait_dma2 semaphore(%run_scoped3A : memref<!tpu.dma_semaphore, #tpu.memory_space<semaphore_mem>>) src(%arg4 : memref<64x64xf32, #tpu.memory_space<hbm>>) dst(%arg14 : memref<64x64xf32, #tpu.memory_space<vmem>>)
        tpu.yield
      }) : () -> ()
      %while3A_96 = arith.constant 999936 : i32
      %while3A_97 = arith.constant 0 : i32
      %while3A_98 = arith.subi %select_n3A_57, %while3A_97 : i32
      %while3A_99 = arith.addi %while3A_97, %while3A_98 : i32
      %while3A_100 = arith.constant 1 : i32
      %while3A_101 = arith.divsi %while3A_98, %while3A_100 : i32
      %while3A_102 = arith.muli %while3A_101, %while3A_100 : i32
      %while3A_103 = arith.addi %while3A_97, %while3A_102 : i32
      %while3A_104 = arith.constant 1 : i32
      %while3A_105 = scf.for %while3A_108 = %while3A_97 to %while3A_103 step %while3A_104 iter_args(%while3A_109 = %while3A_77) -> (i32)  : i32 {
        %mul3A_110 = arith.constant 16 : i32
        %mul3A_111 = arith.muli %while3A_108, %mul3A_110 : i32
        %get3A = arith.index_cast %mul3A_111 : i32 to index
        %get3A_112 = tpu.vector_load %arg7[%get3A] {strides = array<i32>} : memref<16400xi32, #tpu.memory_space<vmem>>, vector<16xi32>,
        %ge3A = vector.broadcast %while3A_96 : i32 to vector<16xi32>
        %ge3A_113 = arith.cmpi sge, %get3A_112, %ge3A : vector<16xi32>
        %add3A_114 = arith.constant 512 : i32
        %add3A_115 = arith.addi %while3A_96, %add3A_114 : i32
        %lt3A = vector.broadcast %add3A_115 : i32 to vector<16xi32>
        %lt3A_116 = arith.cmpi slt, %get3A_112, %lt3A : vector<16xi32>
        %and3A_117 = arith.andi %ge3A_113, %lt3A_116 : vector<16xi1>
        %all_reduce_population_count3A = tpu.all_reduce %and3A_117 {dim = 0 : i64, kind = #tpu.reduction_kind<sum>} : vector<16xi1> -> vector<16xi32>
        %slice3A = vector.extract_strided_slice %all_reduce_population_count3A {offsets = [0], sizes = [1], strides = [1]} : vector<16xi32> to vector<1xi32>
        %squeeze3A = vector.extract %slice3A[0] : i32 from vector<1xi32>
        %gt3A = arith.constant 0 : i32
        %gt3A_118 = arith.cmpi sgt, %squeeze3A, %gt3A : i32
        %convert_element_type3A_119 = arith.extui %gt3A_118 : i1 to i32
        %cond3A_120 = arith.constant 0 : i32
        %cond3A_121 = arith.cmpi ne, %convert_element_type3A_119, %cond3A_120 : i32
        %cond3A_122 = scf.if %cond3A_121 -> (i32) {
          %mul3A_123 = arith.constant 16 : i32
          %mul3A_124 = arith.muli %while3A_108, %mul3A_123 : i32
          %get3A_125 = arith.index_cast %mul3A_124 : i32 to index
          %get3A_126 = tpu.vector_load %arg8[%get3A_125] {strides = array<i32>} : memref<16400xi32, #tpu.memory_space<vmem>>, vector<16xi32>,
          %swap3A_127 = arith.constant 0 : index
          %swap3A_128 = tpu.vector_load %arg12[%swap3A_127] masked %and3A_117 {strides = array<i32>} : memref<16xi32, #tpu.memory_space<vmem>>, vector<16xi32>, vector<16xi1>
          tpu.vector_store %arg12[%swap3A_127], %get3A_112 masked %and3A_117 {strides = array<i32>} : memref<16xi32, #tpu.memory_space<vmem>>, vector<16xi32>, vector<16xi1>
          %swap3A_129 = arith.constant 0 : index
          %swap3A_130 = tpu.vector_load %arg13[%swap3A_129] masked %and3A_117 {strides = array<i32>} : memref<16xi32, #tpu.memory_space<vmem>>, vector<16xi32>, vector<16xi1>
          tpu.vector_store %arg13[%swap3A_129], %get3A_126 masked %and3A_117 {strides = array<i32>} : memref<16xi32, #tpu.memory_space<vmem>>, vector<16xi32>, vector<16xi1>
          %while3A_131 = arith.constant 0 : i32
          %while3A_132 = arith.subi %squeeze3A, %while3A_131 : i32
          %while3A_133 = arith.addi %while3A_131, %while3A_132 : i32
          %while3A_134 = arith.constant 1 : i32
          %while3A_135 = arith.divsi %while3A_132, %while3A_134 : i32
          %while3A_136 = arith.muli %while3A_135, %while3A_134 : i32
          %while3A_137 = arith.addi %while3A_131, %while3A_136 : i32
          %while3A_138 = arith.constant 1 : i32
          %while3A_139 = scf.for %while3A_142 = %while3A_131 to %while3A_137 step %while3A_138 iter_args(%while3A_143 = %while3A_109) -> (i32)  : i32 {
            %broadcast_in_dim3A_144 = vector.broadcast %while3A_142 : i32 to vector<16xi32>
            %gather3A = tpu.vector_load_idx %arg12[%broadcast_in_dim3A_144] : memref<16xi32, #tpu.memory_space<vmem>>[vector<16xi32>], vector<16xi32>,
            %broadcast_in_dim3A_145 = vector.broadcast %while3A_142 : i32 to vector<16xi32>
            %gather3A_146 = tpu.vector_load_idx %arg13[%broadcast_in_dim3A_145] : memref<16xi32, #tpu.memory_space<vmem>>[vector<16xi32>], vector<16xi32>,
            %sub3A_147 = vector.broadcast %while3A_96 : i32 to vector<16xi32>
            %sub3A_148 = arith.subi %gather3A, %sub3A_147 : vector<16xi32>
            %jit3A_149 = arith.constant 32 : i32
            %eq3A_150 = arith.constant 0 : i32
            %eq3A_151 = arith.cmpi eq, %jit3A_149, %eq3A_150 : i32
            %jit3A_152 = arith.constant 1 : i32
            %select_n3A_153 = arith.select %eq3A_151, %jit3A_152, %jit3A_149 : i32
            %rem3A_154 = arith.remsi %while3A_143, %select_n3A_153 : i32
            %ne3A_155 = arith.constant 0 : i32
            %ne3A_156 = arith.cmpi ne, %rem3A_154, %ne3A_155 : i32
            %lt3A_157 = arith.constant 0 : i32
            %lt3A_158 = arith.cmpi slt, %rem3A_154, %lt3A_157 : i32
            %lt3A_159 = arith.constant 0 : i32
            %lt3A_160 = arith.cmpi slt, %select_n3A_153, %lt3A_159 : i32
            %ne3A_161 = arith.xori %lt3A_158, %lt3A_160 : i1
            %and3A_162 = arith.andi %ne3A_161, %ne3A_156 : i1
            %add3A_163 = arith.addi %rem3A_154, %select_n3A_153 : i32
            %select_n3A_164 = arith.select %and3A_162, %add3A_163, %rem3A_154 : i32
            %add3A_165 = arith.constant 0 : i32
            %add3A_166 = vector.broadcast %add3A_165 : i32 to vector<16xi32>
            %add3A_167 = arith.addi %iota3A, %add3A_166 : vector<16xi32>
            %gather3A_168 = arith.constant 0 : i32
            %gather3A_169 = arith.constant 0 : i32
            %gather3A_170 = tpu.memref_slice %arg14[%gather3A_168, %gather3A_169] : memref<64x64xf32, #tpu.memory_space<vmem>> -> memref<64x64xf32, #tpu.memory_space<vmem>>
            %gather3A_171 = tpu.vector_load_idx %gather3A_170[%add3A_167, %sub3A_148] : memref<64x64xf32, #tpu.memory_space<vmem>>[vector<16xi32>, vector<16xi32>], vector<16xf32>,
            %swap3A_172 = arith.index_cast %select_n3A_164 : i32 to index
            %swap3A_173 = arith.constant 0 : index
            %swap3A_174 = tpu.vector_load %arg10[%swap3A_172, %swap3A_173] {strides = array<i32>} : memref<32x128xf32, #tpu.memory_space<vmem>>, vector<16xf32>,
            tpu.vector_store %arg10[%swap3A_172, %swap3A_173], %gather3A_171 {strides = array<i32>} : memref<32x128xf32, #tpu.memory_space<vmem>>, vector<16xf32>,
            %add3A_175 = arith.constant 16 : i32
            %add3A_176 = vector.broadcast %add3A_175 : i32 to vector<16xi32>
            %add3A_177 = arith.addi %iota3A, %add3A_176 : vector<16xi32>
            %gather3A_178 = arith.constant 0 : i32
            %gather3A_179 = arith.constant 0 : i32
            %gather3A_180 = tpu.memref_slice %arg14[%gather3A_178, %gather3A_179] : memref<64x64xf32, #tpu.memory_space<vmem>> -> memref<64x64xf32, #tpu.memory_space<vmem>>
            %gather3A_181 = tpu.vector_load_idx %gather3A_180[%add3A_177, %sub3A_148] : memref<64x64xf32, #tpu.memory_space<vmem>>[vector<16xi32>, vector<16xi32>], vector<16xf32>,
            %swap3A_182 = arith.index_cast %select_n3A_164 : i32 to index
            %swap3A_183 = arith.constant 16 : index
            %swap3A_184 = tpu.vector_load %arg10[%swap3A_182, %swap3A_183] {strides = array<i32>} : memref<32x128xf32, #tpu.memory_space<vmem>>, vector<16xf32>,
            tpu.vector_store %arg10[%swap3A_182, %swap3A_183], %gather3A_181 {strides = array<i32>} : memref<32x128xf32, #tpu.memory_space<vmem>>, vector<16xf32>,
            %add3A_185 = arith.constant 32 : i32
            %add3A_186 = vector.broadcast %add3A_185 : i32 to vector<16xi32>
            %add3A_187 = arith.addi %iota3A, %add3A_186 : vector<16xi32>
            %gather3A_188 = arith.constant 0 : i32
            %gather3A_189 = arith.constant 0 : i32
            %gather3A_190 = tpu.memref_slice %arg14[%gather3A_188, %gather3A_189] : memref<64x64xf32, #tpu.memory_space<vmem>> -> memref<64x64xf32, #tpu.memory_space<vmem>>
            %gather3A_191 = tpu.vector_load_idx %gather3A_190[%add3A_187, %sub3A_148] : memref<64x64xf32, #tpu.memory_space<vmem>>[vector<16xi32>, vector<16xi32>], vector<16xf32>,
            %swap3A_192 = arith.index_cast %select_n3A_164 : i32 to index
            %swap3A_193 = arith.constant 32 : index
            %swap3A_194 = tpu.vector_load %arg10[%swap3A_192, %swap3A_193] {strides = array<i32>} : memref<32x128xf32, #tpu.memory_space<vmem>>, vector<16xf32>,
            tpu.vector_store %arg10[%swap3A_192, %swap3A_193], %gather3A_191 {strides = array<i32>} : memref<32x128xf32, #tpu.memory_space<vmem>>, vector<16xf32>,
            %add3A_195 = arith.constant 48 : i32
            %add3A_196 = vector.broadcast %add3A_195 : i32 to vector<16xi32>
            %add3A_197 = arith.addi %iota3A, %add3A_196 : vector<16xi32>
            %gather3A_198 = arith.constant 0 : i32
            %gather3A_199 = arith.constant 0 : i32
            %gather3A_200 = tpu.memref_slice %arg14[%gather3A_198, %gather3A_199] : memref<64x64xf32, #tpu.memory_space<vmem>> -> memref<64x64xf32, #tpu.memory_space<vmem>>
            %gather3A_201 = tpu.vector_load_idx %gather3A_200[%add3A_197, %sub3A_148] : memref<64x64xf32, #tpu.memory_space<vmem>>[vector<16xi32>, vector<16xi32>], vector<16xf32>,
            %swap3A_202 = arith.index_cast %select_n3A_164 : i32 to index
            %swap3A_203 = arith.constant 48 : index
            %swap3A_204 = tpu.vector_load %arg10[%swap3A_202, %swap3A_203] {strides = array<i32>} : memref<32x128xf32, #tpu.memory_space<vmem>>, vector<16xf32>,
            tpu.vector_store %arg10[%swap3A_202, %swap3A_203], %gather3A_201 {strides = array<i32>} : memref<32x128xf32, #tpu.memory_space<vmem>>, vector<16xf32>,
            %broadcast_in_dim3A_205 = vector.broadcast %select_n3A_164 : i32 to vector<16xi32>
            %eq3A_206 = arith.constant 0 : i32
            %eq3A_207 = vector.broadcast %eq3A_206 : i32 to vector<16xi32>
            %eq3A_208 = arith.cmpi eq, %iota3A, %eq3A_207 : vector<16xi32>
            tpu.vector_store_idx %arg11[%broadcast_in_dim3A_205], %gather3A_146 masked %eq3A_208 : memref<32xi32, #tpu.memory_space<vmem>>[vector<16xi32>], vector<16xi32>, vector<16xi1>
            %add3A_209 = arith.constant 1 : i32
            %add3A_210 = arith.addi %while3A_143, %add3A_209 : i32
            %jit3A_211 = arith.constant 32 : i32
            %eq3A_212 = arith.constant 0 : i32
            %eq3A_213 = arith.cmpi eq, %jit3A_211, %eq3A_212 : i32
            %jit3A_214 = arith.constant 1 : i32
            %select_n3A_215 = arith.select %eq3A_213, %jit3A_214, %jit3A_211 : i32
            %rem3A_216 = arith.remsi %add3A_210, %select_n3A_215 : i32
            %ne3A_217 = arith.constant 0 : i32
            %ne3A_218 = arith.cmpi ne, %rem3A_216, %ne3A_217 : i32
            %lt3A_219 = arith.constant 0 : i32
            %lt3A_220 = arith.cmpi slt, %rem3A_216, %lt3A_219 : i32
            %lt3A_221 = arith.constant 0 : i32
            %lt3A_222 = arith.cmpi slt, %select_n3A_215, %lt3A_221 : i32
            %ne3A_223 = arith.xori %lt3A_220, %lt3A_222 : i1
            %and3A_224 = arith.andi %ne3A_223, %ne3A_218 : i1
            %add3A_225 = arith.addi %rem3A_216, %select_n3A_215 : i32
            %select_n3A_226 = arith.select %and3A_224, %add3A_225, %rem3A_216 : i32
            %eq3A_227 = arith.constant 0 : i32
            %eq3A_228 = arith.cmpi eq, %select_n3A_226, %eq3A_227 : i32
            %convert_element_type3A_229 = arith.extui %eq3A_228 : i1 to i32
            %cond3A_230 = arith.constant 0 : i32
            %cond3A_231 = arith.cmpi ne, %convert_element_type3A_229, %cond3A_230 : i32
            scf.if %cond3A_231 {
              %dma_start3A_232 = arith.constant 0 : i32
              %dma_start3A_233 = arith.constant 0 : i32
              %dma_start3A_234 = tpu.memref_slice %arg5[%dma_start3A_232, %dma_start3A_233] : memref<16400x128xf32, #tpu.memory_space<hbm>> -> memref<16400x128xf32, #tpu.memory_space<hbm>>
              tpu.enqueue_indirect_dma source(%arg10 : memref<32x128xf32, #tpu.memory_space<vmem>>) target(%dma_start3A_234 : memref<16400x128xf32, #tpu.memory_space<hbm>>) offsets(%arg11 : memref<32xi32, #tpu.memory_space<vmem>>) semaphore(%arg15 : memref<!tpu.dma_semaphore, #tpu.memory_space<semaphore_mem>>)
              %dma_wait3A_235 = arith.constant 0 : i32
              %dma_wait3A_236 = arith.constant 0 : i32
              %dma_wait3A_237 = tpu.memref_slice %arg5[%dma_wait3A_235, %dma_wait3A_236] : memref<16400x128xf32, #tpu.memory_space<hbm>> -> memref<16400x128xf32, #tpu.memory_space<hbm>>
              tpu.wait_indirect_dma semaphore(%arg15 : memref<!tpu.dma_semaphore, #tpu.memory_space<semaphore_mem>>) src(%arg10 : memref<32x128xf32, #tpu.memory_space<vmem>>) dst(%dma_wait3A_237 : memref<16400x128xf32, #tpu.memory_space<hbm>>)
              %add3A_238 = arith.constant 16384 : i32
              %add3A_239 = vector.broadcast %add3A_238 : i32 to vector<16xi32>
              %add3A_240 = arith.addi %iota3A, %add3A_239 : vector<16xi32>
              %swap3A_241 = arith.constant 0 : index
              %swap3A_242 = tpu.vector_load %arg11[%swap3A_241] {strides = array<i32>} : memref<32xi32, #tpu.memory_space<vmem>>, vector<16xi32>,
              tpu.vector_store %arg11[%swap3A_241], %add3A_240 {strides = array<i32>} : memref<32xi32, #tpu.memory_space<vmem>>, vector<16xi32>,
              %add3A_243 = arith.constant 16384 : i32
              %add3A_244 = vector.broadcast %add3A_243 : i32 to vector<16xi32>
              %add3A_245 = arith.addi %iota3A, %add3A_244 : vector<16xi32>
              %swap3A_246 = arith.constant 16 : index
              %swap3A_247 = tpu.vector_load %arg11[%swap3A_246] {strides = array<i32>} : memref<32xi32, #tpu.memory_space<vmem>>, vector<16xi32>,
              tpu.vector_store %arg11[%swap3A_246], %add3A_245 {strides = array<i32>} : memref<32xi32, #tpu.memory_space<vmem>>, vector<16xi32>,
            } else {
            }
            scf.yield %add3A_210 : i32
          }
          %while3A_140 = arith.constant 1 : i32
          %while3A_141 = scf.for %while3A_142 = %while3A_137 to %while3A_133 step %while3A_140 iter_args(%while3A_143 = %while3A_139) -> (i32)  : i32 {
            %broadcast_in_dim3A_144 = vector.broadcast %while3A_142 : i32 to vector<16xi32>
            %gather3A = tpu.vector_load_idx %arg12[%broadcast_in_dim3A_144] : memref<16xi32, #tpu.memory_space<vmem>>[vector<16xi32>], vector<16xi32>,
            %broadcast_in_dim3A_145 = vector.broadcast %while3A_142 : i32 to vector<16xi32>
            %gather3A_146 = tpu.vector_load_idx %arg13[%broadcast_in_dim3A_145] : memref<16xi32, #tpu.memory_space<vmem>>[vector<16xi32>], vector<16xi32>,
            %sub3A_147 = vector.broadcast %while3A_96 : i32 to vector<16xi32>
            %sub3A_148 = arith.subi %gather3A, %sub3A_147 : vector<16xi32>
            %jit3A_149 = arith.constant 32 : i32
            %eq3A_150 = arith.constant 0 : i32
            %eq3A_151 = arith.cmpi eq, %jit3A_149, %eq3A_150 : i32
            %jit3A_152 = arith.constant 1 : i32
            %select_n3A_153 = arith.select %eq3A_151, %jit3A_152, %jit3A_149 : i32
            %rem3A_154 = arith.remsi %while3A_143, %select_n3A_153 : i32
            %ne3A_155 = arith.constant 0 : i32
            %ne3A_156 = arith.cmpi ne, %rem3A_154, %ne3A_155 : i32
            %lt3A_157 = arith.constant 0 : i32
            %lt3A_158 = arith.cmpi slt, %rem3A_154, %lt3A_157 : i32
            %lt3A_159 = arith.constant 0 : i32
            %lt3A_160 = arith.cmpi slt, %select_n3A_153, %lt3A_159 : i32
            %ne3A_161 = arith.xori %lt3A_158, %lt3A_160 : i1
            %and3A_162 = arith.andi %ne3A_161, %ne3A_156 : i1
            %add3A_163 = arith.addi %rem3A_154, %select_n3A_153 : i32
            %select_n3A_164 = arith.select %and3A_162, %add3A_163, %rem3A_154 : i32
            %add3A_165 = arith.constant 0 : i32
            %add3A_166 = vector.broadcast %add3A_165 : i32 to vector<16xi32>
            %add3A_167 = arith.addi %iota3A, %add3A_166 : vector<16xi32>
            %gather3A_168 = arith.constant 0 : i32
            %gather3A_169 = arith.constant 0 : i32
            %gather3A_170 = tpu.memref_slice %arg14[%gather3A_168, %gather3A_169] : memref<64x64xf32, #tpu.memory_space<vmem>> -> memref<64x64xf32, #tpu.memory_space<vmem>>
            %gather3A_171 = tpu.vector_load_idx %gather3A_170[%add3A_167, %sub3A_148] : memref<64x64xf32, #tpu.memory_space<vmem>>[vector<16xi32>, vector<16xi32>], vector<16xf32>,
            %swap3A_172 = arith.index_cast %select_n3A_164 : i32 to index
            %swap3A_173 = arith.constant 0 : index
            %swap3A_174 = tpu.vector_load %arg10[%swap3A_172, %swap3A_173] {strides = array<i32>} : memref<32x128xf32, #tpu.memory_space<vmem>>, vector<16xf32>,
            tpu.vector_store %arg10[%swap3A_172, %swap3A_173], %gather3A_171 {strides = array<i32>} : memref<32x128xf32, #tpu.memory_space<vmem>>, vector<16xf32>,
            %add3A_175 = arith.constant 16 : i32
            %add3A_176 = vector.broadcast %add3A_175 : i32 to vector<16xi32>
            %add3A_177 = arith.addi %iota3A, %add3A_176 : vector<16xi32>
            %gather3A_178 = arith.constant 0 : i32
            %gather3A_179 = arith.constant 0 : i32
            %gather3A_180 = tpu.memref_slice %arg14[%gather3A_178, %gather3A_179] : memref<64x64xf32, #tpu.memory_space<vmem>> -> memref<64x64xf32, #tpu.memory_space<vmem>>
            %gather3A_181 = tpu.vector_load_idx %gather3A_180[%add3A_177, %sub3A_148] : memref<64x64xf32, #tpu.memory_space<vmem>>[vector<16xi32>, vector<16xi32>], vector<16xf32>,
            %swap3A_182 = arith.index_cast %select_n3A_164 : i32 to index
            %swap3A_183 = arith.constant 16 : index
            %swap3A_184 = tpu.vector_load %arg10[%swap3A_182, %swap3A_183] {strides = array<i32>} : memref<32x128xf32, #tpu.memory_space<vmem>>, vector<16xf32>,
            tpu.vector_store %arg10[%swap3A_182, %swap3A_183], %gather3A_181 {strides = array<i32>} : memref<32x128xf32, #tpu.memory_space<vmem>>, vector<16xf32>,
            %add3A_185 = arith.constant 32 : i32
            %add3A_186 = vector.broadcast %add3A_185 : i32 to vector<16xi32>
            %add3A_187 = arith.addi %iota3A, %add3A_186 : vector<16xi32>
            %gather3A_188 = arith.constant 0 : i32
            %gather3A_189 = arith.constant 0 : i32
            %gather3A_190 = tpu.memref_slice %arg14[%gather3A_188, %gather3A_189] : memref<64x64xf32, #tpu.memory_space<vmem>> -> memref<64x64xf32, #tpu.memory_space<vmem>>
            %gather3A_191 = tpu.vector_load_idx %gather3A_190[%add3A_187, %sub3A_148] : memref<64x64xf32, #tpu.memory_space<vmem>>[vector<16xi32>, vector<16xi32>], vector<16xf32>,
            %swap3A_192 = arith.index_cast %select_n3A_164 : i32 to index
            %swap3A_193 = arith.constant 32 : index
            %swap3A_194 = tpu.vector_load %arg10[%swap3A_192, %swap3A_193] {strides = array<i32>} : memref<32x128xf32, #tpu.memory_space<vmem>>, vector<16xf32>,
            tpu.vector_store %arg10[%swap3A_192, %swap3A_193], %gather3A_191 {strides = array<i32>} : memref<32x128xf32, #tpu.memory_space<vmem>>, vector<16xf32>,
            %add3A_195 = arith.constant 48 : i32
            %add3A_196 = vector.broadcast %add3A_195 : i32 to vector<16xi32>
            %add3A_197 = arith.addi %iota3A, %add3A_196 : vector<16xi32>
            %gather3A_198 = arith.constant 0 : i32
            %gather3A_199 = arith.constant 0 : i32
            %gather3A_200 = tpu.memref_slice %arg14[%gather3A_198, %gather3A_199] : memref<64x64xf32, #tpu.memory_space<vmem>> -> memref<64x64xf32, #tpu.memory_space<vmem>>
            %gather3A_201 = tpu.vector_load_idx %gather3A_200[%add3A_197, %sub3A_148] : memref<64x64xf32, #tpu.memory_space<vmem>>[vector<16xi32>, vector<16xi32>], vector<16xf32>,
            %swap3A_202 = arith.index_cast %select_n3A_164 : i32 to index
            %swap3A_203 = arith.constant 48 : index
            %swap3A_204 = tpu.vector_load %arg10[%swap3A_202, %swap3A_203] {strides = array<i32>} : memref<32x128xf32, #tpu.memory_space<vmem>>, vector<16xf32>,
            tpu.vector_store %arg10[%swap3A_202, %swap3A_203], %gather3A_201 {strides = array<i32>} : memref<32x128xf32, #tpu.memory_space<vmem>>, vector<16xf32>,
            %broadcast_in_dim3A_205 = vector.broadcast %select_n3A_164 : i32 to vector<16xi32>
            %eq3A_206 = arith.constant 0 : i32
            %eq3A_207 = vector.broadcast %eq3A_206 : i32 to vector<16xi32>
            %eq3A_208 = arith.cmpi eq, %iota3A, %eq3A_207 : vector<16xi32>
            tpu.vector_store_idx %arg11[%broadcast_in_dim3A_205], %gather3A_146 masked %eq3A_208 : memref<32xi32, #tpu.memory_space<vmem>>[vector<16xi32>], vector<16xi32>, vector<16xi1>
            %add3A_209 = arith.constant 1 : i32
            %add3A_210 = arith.addi %while3A_143, %add3A_209 : i32
            %jit3A_211 = arith.constant 32 : i32
            %eq3A_212 = arith.constant 0 : i32
            %eq3A_213 = arith.cmpi eq, %jit3A_211, %eq3A_212 : i32
            %jit3A_214 = arith.constant 1 : i32
            %select_n3A_215 = arith.select %eq3A_213, %jit3A_214, %jit3A_211 : i32
            %rem3A_216 = arith.remsi %add3A_210, %select_n3A_215 : i32
            %ne3A_217 = arith.constant 0 : i32
            %ne3A_218 = arith.cmpi ne, %rem3A_216, %ne3A_217 : i32
            %lt3A_219 = arith.constant 0 : i32
            %lt3A_220 = arith.cmpi slt, %rem3A_216, %lt3A_219 : i32
            %lt3A_221 = arith.constant 0 : i32
            %lt3A_222 = arith.cmpi slt, %select_n3A_215, %lt3A_221 : i32
            %ne3A_223 = arith.xori %lt3A_220, %lt3A_222 : i1
            %and3A_224 = arith.andi %ne3A_223, %ne3A_218 : i1
            %add3A_225 = arith.addi %rem3A_216, %select_n3A_215 : i32
            %select_n3A_226 = arith.select %and3A_224, %add3A_225, %rem3A_216 : i32
            %eq3A_227 = arith.constant 0 : i32
            %eq3A_228 = arith.cmpi eq, %select_n3A_226, %eq3A_227 : i32
            %convert_element_type3A_229 = arith.extui %eq3A_228 : i1 to i32
            %cond3A_230 = arith.constant 0 : i32
            %cond3A_231 = arith.cmpi ne, %convert_element_type3A_229, %cond3A_230 : i32
            scf.if %cond3A_231 {
              %dma_start3A_232 = arith.constant 0 : i32
              %dma_start3A_233 = arith.constant 0 : i32
              %dma_start3A_234 = tpu.memref_slice %arg5[%dma_start3A_232, %dma_start3A_233] : memref<16400x128xf32, #tpu.memory_space<hbm>> -> memref<16400x128xf32, #tpu.memory_space<hbm>>
              tpu.enqueue_indirect_dma source(%arg10 : memref<32x128xf32, #tpu.memory_space<vmem>>) target(%dma_start3A_234 : memref<16400x128xf32, #tpu.memory_space<hbm>>) offsets(%arg11 : memref<32xi32, #tpu.memory_space<vmem>>) semaphore(%arg15 : memref<!tpu.dma_semaphore, #tpu.memory_space<semaphore_mem>>)
              %dma_wait3A_235 = arith.constant 0 : i32
              %dma_wait3A_236 = arith.constant 0 : i32
              %dma_wait3A_237 = tpu.memref_slice %arg5[%dma_wait3A_235, %dma_wait3A_236] : memref<16400x128xf32, #tpu.memory_space<hbm>> -> memref<16400x128xf32, #tpu.memory_space<hbm>>
              tpu.wait_indirect_dma semaphore(%arg15 : memref<!tpu.dma_semaphore, #tpu.memory_space<semaphore_mem>>) src(%arg10 : memref<32x128xf32, #tpu.memory_space<vmem>>) dst(%dma_wait3A_237 : memref<16400x128xf32, #tpu.memory_space<hbm>>)
              %add3A_238 = arith.constant 16384 : i32
              %add3A_239 = vector.broadcast %add3A_238 : i32 to vector<16xi32>
              %add3A_240 = arith.addi %iota3A, %add3A_239 : vector<16xi32>
              %swap3A_241 = arith.constant 0 : index
              %swap3A_242 = tpu.vector_load %arg11[%swap3A_241] {strides = array<i32>} : memref<32xi32, #tpu.memory_space<vmem>>, vector<16xi32>,
              tpu.vector_store %arg11[%swap3A_241], %add3A_240 {strides = array<i32>} : memref<32xi32, #tpu.memory_space<vmem>>, vector<16xi32>,
              %add3A_243 = arith.constant 16384 : i32
              %add3A_244 = vector.broadcast %add3A_243 : i32 to vector<16xi32>
              %add3A_245 = arith.addi %iota3A, %add3A_244 : vector<16xi32>
              %swap3A_246 = arith.constant 16 : index
              %swap3A_247 = tpu.vector_load %arg11[%swap3A_246] {strides = array<i32>} : memref<32xi32, #tpu.memory_space<vmem>>, vector<16xi32>,
              tpu.vector_store %arg11[%swap3A_246], %add3A_245 {strides = array<i32>} : memref<32xi32, #tpu.memory_space<vmem>>, vector<16xi32>,
            } else {
            }
            scf.yield %add3A_210 : i32
          }
          scf.yield %while3A_141 : i32
        } else {
          scf.yield %while3A_109 : i32
        }
        scf.yield %cond3A_122 : i32
      }
      %while3A_106 = arith.constant 1 : i32
      %while3A_107 = scf.for %while3A_108 = %while3A_103 to %while3A_99 step %while3A_106 iter_args(%while3A_109 = %while3A_105) -> (i32)  : i32 {
        %mul3A_110 = arith.constant 16 : i32
        %mul3A_111 = arith.muli %while3A_108, %mul3A_110 : i32
        %get3A = arith.index_cast %mul3A_111 : i32 to index
        %get3A_112 = tpu.vector_load %arg7[%get3A] {strides = array<i32>} : memref<16400xi32, #tpu.memory_space<vmem>>, vector<16xi32>,
        %ge3A = vector.broadcast %while3A_96 : i32 to vector<16xi32>
        %ge3A_113 = arith.cmpi sge, %get3A_112, %ge3A : vector<16xi32>
        %add3A_114 = arith.constant 512 : i32
        %add3A_115 = arith.addi %while3A_96, %add3A_114 : i32
        %lt3A = vector.broadcast %add3A_115 : i32 to vector<16xi32>
        %lt3A_116 = arith.cmpi slt, %get3A_112, %lt3A : vector<16xi32>
        %and3A_117 = arith.andi %ge3A_113, %lt3A_116 : vector<16xi1>
        %all_reduce_population_count3A = tpu.all_reduce %and3A_117 {dim = 0 : i64, kind = #tpu.reduction_kind<sum>} : vector<16xi1> -> vector<16xi32>
        %slice3A = vector.extract_strided_slice %all_reduce_population_count3A {offsets = [0], sizes = [1], strides = [1]} : vector<16xi32> to vector<1xi32>
        %squeeze3A = vector.extract %slice3A[0] : i32 from vector<1xi32>
        %gt3A = arith.constant 0 : i32
        %gt3A_118 = arith.cmpi sgt, %squeeze3A, %gt3A : i32
        %convert_element_type3A_119 = arith.extui %gt3A_118 : i1 to i32
        %cond3A_120 = arith.constant 0 : i32
        %cond3A_121 = arith.cmpi ne, %convert_element_type3A_119, %cond3A_120 : i32
        %cond3A_122 = scf.if %cond3A_121 -> (i32) {
          %mul3A_123 = arith.constant 16 : i32
          %mul3A_124 = arith.muli %while3A_108, %mul3A_123 : i32
          %get3A_125 = arith.index_cast %mul3A_124 : i32 to index
          %get3A_126 = tpu.vector_load %arg8[%get3A_125] {strides = array<i32>} : memref<16400xi32, #tpu.memory_space<vmem>>, vector<16xi32>,
          %swap3A_127 = arith.constant 0 : index
          %swap3A_128 = tpu.vector_load %arg12[%swap3A_127] masked %and3A_117 {strides = array<i32>} : memref<16xi32, #tpu.memory_space<vmem>>, vector<16xi32>, vector<16xi1>
          tpu.vector_store %arg12[%swap3A_127], %get3A_112 masked %and3A_117 {strides = array<i32>} : memref<16xi32, #tpu.memory_space<vmem>>, vector<16xi32>, vector<16xi1>
          %swap3A_129 = arith.constant 0 : index
          %swap3A_130 = tpu.vector_load %arg13[%swap3A_129] masked %and3A_117 {strides = array<i32>} : memref<16xi32, #tpu.memory_space<vmem>>, vector<16xi32>, vector<16xi1>
          tpu.vector_store %arg13[%swap3A_129], %get3A_126 masked %and3A_117 {strides = array<i32>} : memref<16xi32, #tpu.memory_space<vmem>>, vector<16xi32>, vector<16xi1>
          %while3A_131 = arith.constant 0 : i32
          %while3A_132 = arith.subi %squeeze3A, %while3A_131 : i32
          %while3A_133 = arith.addi %while3A_131, %while3A_132 : i32
          %while3A_134 = arith.constant 1 : i32
          %while3A_135 = arith.divsi %while3A_132, %while3A_134 : i32
          %while3A_136 = arith.muli %while3A_135, %while3A_134 : i32
          %while3A_137 = arith.addi %while3A_131, %while3A_136 : i32
          %while3A_138 = arith.constant 1 : i32
          %while3A_139 = scf.for %while3A_142 = %while3A_131 to %while3A_137 step %while3A_138 iter_args(%while3A_143 = %while3A_109) -> (i32)  : i32 {
            %broadcast_in_dim3A_144 = vector.broadcast %while3A_142 : i32 to vector<16xi32>
            %gather3A = tpu.vector_load_idx %arg12[%broadcast_in_dim3A_144] : memref<16xi32, #tpu.memory_space<vmem>>[vector<16xi32>], vector<16xi32>,
            %broadcast_in_dim3A_145 = vector.broadcast %while3A_142 : i32 to vector<16xi32>
            %gather3A_146 = tpu.vector_load_idx %arg13[%broadcast_in_dim3A_145] : memref<16xi32, #tpu.memory_space<vmem>>[vector<16xi32>], vector<16xi32>,
            %sub3A_147 = vector.broadcast %while3A_96 : i32 to vector<16xi32>
            %sub3A_148 = arith.subi %gather3A, %sub3A_147 : vector<16xi32>
            %jit3A_149 = arith.constant 32 : i32
            %eq3A_150 = arith.constant 0 : i32
            %eq3A_151 = arith.cmpi eq, %jit3A_149, %eq3A_150 : i32
            %jit3A_152 = arith.constant 1 : i32
            %select_n3A_153 = arith.select %eq3A_151, %jit3A_152, %jit3A_149 : i32
            %rem3A_154 = arith.remsi %while3A_143, %select_n3A_153 : i32
            %ne3A_155 = arith.constant 0 : i32
            %ne3A_156 = arith.cmpi ne, %rem3A_154, %ne3A_155 : i32
            %lt3A_157 = arith.constant 0 : i32
            %lt3A_158 = arith.cmpi slt, %rem3A_154, %lt3A_157 : i32
            %lt3A_159 = arith.constant 0 : i32
            %lt3A_160 = arith.cmpi slt, %select_n3A_153, %lt3A_159 : i32
            %ne3A_161 = arith.xori %lt3A_158, %lt3A_160 : i1
            %and3A_162 = arith.andi %ne3A_161, %ne3A_156 : i1
            %add3A_163 = arith.addi %rem3A_154, %select_n3A_153 : i32
            %select_n3A_164 = arith.select %and3A_162, %add3A_163, %rem3A_154 : i32
            %add3A_165 = arith.constant 0 : i32
            %add3A_166 = vector.broadcast %add3A_165 : i32 to vector<16xi32>
            %add3A_167 = arith.addi %iota3A, %add3A_166 : vector<16xi32>
            %gather3A_168 = arith.constant 0 : i32
            %gather3A_169 = arith.constant 0 : i32
            %gather3A_170 = tpu.memref_slice %arg14[%gather3A_168, %gather3A_169] : memref<64x64xf32, #tpu.memory_space<vmem>> -> memref<64x64xf32, #tpu.memory_space<vmem>>
            %gather3A_171 = tpu.vector_load_idx %gather3A_170[%add3A_167, %sub3A_148] : memref<64x64xf32, #tpu.memory_space<vmem>>[vector<16xi32>, vector<16xi32>], vector<16xf32>,
            %swap3A_172 = arith.index_cast %select_n3A_164 : i32 to index
            %swap3A_173 = arith.constant 0 : index
            %swap3A_174 = tpu.vector_load %arg10[%swap3A_172, %swap3A_173] {strides = array<i32>} : memref<32x128xf32, #tpu.memory_space<vmem>>, vector<16xf32>,
            tpu.vector_store %arg10[%swap3A_172, %swap3A_173], %gather3A_171 {strides = array<i32>} : memref<32x128xf32, #tpu.memory_space<vmem>>, vector<16xf32>,
            %add3A_175 = arith.constant 16 : i32
            %add3A_176 = vector.broadcast %add3A_175 : i32 to vector<16xi32>
            %add3A_177 = arith.addi %iota3A, %add3A_176 : vector<16xi32>
            %gather3A_178 = arith.constant 0 : i32
            %gather3A_179 = arith.constant 0 : i32
            %gather3A_180 = tpu.memref_slice %arg14[%gather3A_178, %gather3A_179] : memref<64x64xf32, #tpu.memory_space<vmem>> -> memref<64x64xf32, #tpu.memory_space<vmem>>
            %gather3A_181 = tpu.vector_load_idx %gather3A_180[%add3A_177, %sub3A_148] : memref<64x64xf32, #tpu.memory_space<vmem>>[vector<16xi32>, vector<16xi32>], vector<16xf32>,
            %swap3A_182 = arith.index_cast %select_n3A_164 : i32 to index
            %swap3A_183 = arith.constant 16 : index
            %swap3A_184 = tpu.vector_load %arg10[%swap3A_182, %swap3A_183] {strides = array<i32>} : memref<32x128xf32, #tpu.memory_space<vmem>>, vector<16xf32>,
            tpu.vector_store %arg10[%swap3A_182, %swap3A_183], %gather3A_181 {strides = array<i32>} : memref<32x128xf32, #tpu.memory_space<vmem>>, vector<16xf32>,
            %add3A_185 = arith.constant 32 : i32
            %add3A_186 = vector.broadcast %add3A_185 : i32 to vector<16xi32>
            %add3A_187 = arith.addi %iota3A, %add3A_186 : vector<16xi32>
            %gather3A_188 = arith.constant 0 : i32
            %gather3A_189 = arith.constant 0 : i32
            %gather3A_190 = tpu.memref_slice %arg14[%gather3A_188, %gather3A_189] : memref<64x64xf32, #tpu.memory_space<vmem>> -> memref<64x64xf32, #tpu.memory_space<vmem>>
            %gather3A_191 = tpu.vector_load_idx %gather3A_190[%add3A_187, %sub3A_148] : memref<64x64xf32, #tpu.memory_space<vmem>>[vector<16xi32>, vector<16xi32>], vector<16xf32>,
            %swap3A_192 = arith.index_cast %select_n3A_164 : i32 to index
            %swap3A_193 = arith.constant 32 : index
            %swap3A_194 = tpu.vector_load %arg10[%swap3A_192, %swap3A_193] {strides = array<i32>} : memref<32x128xf32, #tpu.memory_space<vmem>>, vector<16xf32>,
            tpu.vector_store %arg10[%swap3A_192, %swap3A_193], %gather3A_191 {strides = array<i32>} : memref<32x128xf32, #tpu.memory_space<vmem>>, vector<16xf32>,
            %add3A_195 = arith.constant 48 : i32
            %add3A_196 = vector.broadcast %add3A_195 : i32 to vector<16xi32>
            %add3A_197 = arith.addi %iota3A, %add3A_196 : vector<16xi32>
            %gather3A_198 = arith.constant 0 : i32
            %gather3A_199 = arith.constant 0 : i32
            %gather3A_200 = tpu.memref_slice %arg14[%gather3A_198, %gather3A_199] : memref<64x64xf32, #tpu.memory_space<vmem>> -> memref<64x64xf32, #tpu.memory_space<vmem>>
            %gather3A_201 = tpu.vector_load_idx %gather3A_200[%add3A_197, %sub3A_148] : memref<64x64xf32, #tpu.memory_space<vmem>>[vector<16xi32>, vector<16xi32>], vector<16xf32>,
            %swap3A_202 = arith.index_cast %select_n3A_164 : i32 to index
            %swap3A_203 = arith.constant 48 : index
            %swap3A_204 = tpu.vector_load %arg10[%swap3A_202, %swap3A_203] {strides = array<i32>} : memref<32x128xf32, #tpu.memory_space<vmem>>, vector<16xf32>,
            tpu.vector_store %arg10[%swap3A_202, %swap3A_203], %gather3A_201 {strides = array<i32>} : memref<32x128xf32, #tpu.memory_space<vmem>>, vector<16xf32>,
            %broadcast_in_dim3A_205 = vector.broadcast %select_n3A_164 : i32 to vector<16xi32>
            %eq3A_206 = arith.constant 0 : i32
            %eq3A_207 = vector.broadcast %eq3A_206 : i32 to vector<16xi32>
            %eq3A_208 = arith.cmpi eq, %iota3A, %eq3A_207 : vector<16xi32>
            tpu.vector_store_idx %arg11[%broadcast_in_dim3A_205], %gather3A_146 masked %eq3A_208 : memref<32xi32, #tpu.memory_space<vmem>>[vector<16xi32>], vector<16xi32>, vector<16xi1>
            %add3A_209 = arith.constant 1 : i32
            %add3A_210 = arith.addi %while3A_143, %add3A_209 : i32
            %jit3A_211 = arith.constant 32 : i32
            %eq3A_212 = arith.constant 0 : i32
            %eq3A_213 = arith.cmpi eq, %jit3A_211, %eq3A_212 : i32
            %jit3A_214 = arith.constant 1 : i32
            %select_n3A_215 = arith.select %eq3A_213, %jit3A_214, %jit3A_211 : i32
            %rem3A_216 = arith.remsi %add3A_210, %select_n3A_215 : i32
            %ne3A_217 = arith.constant 0 : i32
            %ne3A_218 = arith.cmpi ne, %rem3A_216, %ne3A_217 : i32
            %lt3A_219 = arith.constant 0 : i32
            %lt3A_220 = arith.cmpi slt, %rem3A_216, %lt3A_219 : i32
            %lt3A_221 = arith.constant 0 : i32
            %lt3A_222 = arith.cmpi slt, %select_n3A_215, %lt3A_221 : i32
            %ne3A_223 = arith.xori %lt3A_220, %lt3A_222 : i1
            %and3A_224 = arith.andi %ne3A_223, %ne3A_218 : i1
            %add3A_225 = arith.addi %rem3A_216, %select_n3A_215 : i32
            %select_n3A_226 = arith.select %and3A_224, %add3A_225, %rem3A_216 : i32
            %eq3A_227 = arith.constant 0 : i32
            %eq3A_228 = arith.cmpi eq, %select_n3A_226, %eq3A_227 : i32
            %convert_element_type3A_229 = arith.extui %eq3A_228 : i1 to i32
            %cond3A_230 = arith.constant 0 : i32
            %cond3A_231 = arith.cmpi ne, %convert_element_type3A_229, %cond3A_230 : i32
            scf.if %cond3A_231 {
              %dma_start3A_232 = arith.constant 0 : i32
              %dma_start3A_233 = arith.constant 0 : i32
              %dma_start3A_234 = tpu.memref_slice %arg5[%dma_start3A_232, %dma_start3A_233] : memref<16400x128xf32, #tpu.memory_space<hbm>> -> memref<16400x128xf32, #tpu.memory_space<hbm>>
              tpu.enqueue_indirect_dma source(%arg10 : memref<32x128xf32, #tpu.memory_space<vmem>>) target(%dma_start3A_234 : memref<16400x128xf32, #tpu.memory_space<hbm>>) offsets(%arg11 : memref<32xi32, #tpu.memory_space<vmem>>) semaphore(%arg15 : memref<!tpu.dma_semaphore, #tpu.memory_space<semaphore_mem>>)
              %dma_wait3A_235 = arith.constant 0 : i32
              %dma_wait3A_236 = arith.constant 0 : i32
              %dma_wait3A_237 = tpu.memref_slice %arg5[%dma_wait3A_235, %dma_wait3A_236] : memref<16400x128xf32, #tpu.memory_space<hbm>> -> memref<16400x128xf32, #tpu.memory_space<hbm>>
              tpu.wait_indirect_dma semaphore(%arg15 : memref<!tpu.dma_semaphore, #tpu.memory_space<semaphore_mem>>) src(%arg10 : memref<32x128xf32, #tpu.memory_space<vmem>>) dst(%dma_wait3A_237 : memref<16400x128xf32, #tpu.memory_space<hbm>>)
              %add3A_238 = arith.constant 16384 : i32
              %add3A_239 = vector.broadcast %add3A_238 : i32 to vector<16xi32>
              %add3A_240 = arith.addi %iota3A, %add3A_239 : vector<16xi32>
              %swap3A_241 = arith.constant 0 : index
              %swap3A_242 = tpu.vector_load %arg11[%swap3A_241] {strides = array<i32>} : memref<32xi32, #tpu.memory_space<vmem>>, vector<16xi32>,
              tpu.vector_store %arg11[%swap3A_241], %add3A_240 {strides = array<i32>} : memref<32xi32, #tpu.memory_space<vmem>>, vector<16xi32>,
              %add3A_243 = arith.constant 16384 : i32
              %add3A_244 = vector.broadcast %add3A_243 : i32 to vector<16xi32>
              %add3A_245 = arith.addi %iota3A, %add3A_244 : vector<16xi32>
              %swap3A_246 = arith.constant 16 : index
              %swap3A_247 = tpu.vector_load %arg11[%swap3A_246] {strides = array<i32>} : memref<32xi32, #tpu.memory_space<vmem>>, vector<16xi32>,
              tpu.vector_store %arg11[%swap3A_246], %add3A_245 {strides = array<i32>} : memref<32xi32, #tpu.memory_space<vmem>>, vector<16xi32>,
            } else {
            }
            scf.yield %add3A_210 : i32
          }
          %while3A_140 = arith.constant 1 : i32
          %while3A_141 = scf.for %while3A_142 = %while3A_137 to %while3A_133 step %while3A_140 iter_args(%while3A_143 = %while3A_139) -> (i32)  : i32 {
            %broadcast_in_dim3A_144 = vector.broadcast %while3A_142 : i32 to vector<16xi32>
            %gather3A = tpu.vector_load_idx %arg12[%broadcast_in_dim3A_144] : memref<16xi32, #tpu.memory_space<vmem>>[vector<16xi32>], vector<16xi32>,
            %broadcast_in_dim3A_145 = vector.broadcast %while3A_142 : i32 to vector<16xi32>
            %gather3A_146 = tpu.vector_load_idx %arg13[%broadcast_in_dim3A_145] : memref<16xi32, #tpu.memory_space<vmem>>[vector<16xi32>], vector<16xi32>,
            %sub3A_147 = vector.broadcast %while3A_96 : i32 to vector<16xi32>
            %sub3A_148 = arith.subi %gather3A, %sub3A_147 : vector<16xi32>
            %jit3A_149 = arith.constant 32 : i32
            %eq3A_150 = arith.constant 0 : i32
            %eq3A_151 = arith.cmpi eq, %jit3A_149, %eq3A_150 : i32
            %jit3A_152 = arith.constant 1 : i32
            %select_n3A_153 = arith.select %eq3A_151, %jit3A_152, %jit3A_149 : i32
            %rem3A_154 = arith.remsi %while3A_143, %select_n3A_153 : i32
            %ne3A_155 = arith.constant 0 : i32
            %ne3A_156 = arith.cmpi ne, %rem3A_154, %ne3A_155 : i32
            %lt3A_157 = arith.constant 0 : i32
            %lt3A_158 = arith.cmpi slt, %rem3A_154, %lt3A_157 : i32
            %lt3A_159 = arith.constant 0 : i32
            %lt3A_160 = arith.cmpi slt, %select_n3A_153, %lt3A_159 : i32
            %ne3A_161 = arith.xori %lt3A_158, %lt3A_160 : i1
            %and3A_162 = arith.andi %ne3A_161, %ne3A_156 : i1
            %add3A_163 = arith.addi %rem3A_154, %select_n3A_153 : i32
            %select_n3A_164 = arith.select %and3A_162, %add3A_163, %rem3A_154 : i32
            %add3A_165 = arith.constant 0 : i32
            %add3A_166 = vector.broadcast %add3A_165 : i32 to vector<16xi32>
            %add3A_167 = arith.addi %iota3A, %add3A_166 : vector<16xi32>
            %gather3A_168 = arith.constant 0 : i32
            %gather3A_169 = arith.constant 0 : i32
            %gather3A_170 = tpu.memref_slice %arg14[%gather3A_168, %gather3A_169] : memref<64x64xf32, #tpu.memory_space<vmem>> -> memref<64x64xf32, #tpu.memory_space<vmem>>
            %gather3A_171 = tpu.vector_load_idx %gather3A_170[%add3A_167, %sub3A_148] : memref<64x64xf32, #tpu.memory_space<vmem>>[vector<16xi32>, vector<16xi32>], vector<16xf32>,
            %swap3A_172 = arith.index_cast %select_n3A_164 : i32 to index
            %swap3A_173 = arith.constant 0 : index
            %swap3A_174 = tpu.vector_load %arg10[%swap3A_172, %swap3A_173] {strides = array<i32>} : memref<32x128xf32, #tpu.memory_space<vmem>>, vector<16xf32>,
            tpu.vector_store %arg10[%swap3A_172, %swap3A_173], %gather3A_171 {strides = array<i32>} : memref<32x128xf32, #tpu.memory_space<vmem>>, vector<16xf32>,
            %add3A_175 = arith.constant 16 : i32
            %add3A_176 = vector.broadcast %add3A_175 : i32 to vector<16xi32>
            %add3A_177 = arith.addi %iota3A, %add3A_176 : vector<16xi32>
            %gather3A_178 = arith.constant 0 : i32
            %gather3A_179 = arith.constant 0 : i32
            %gather3A_180 = tpu.memref_slice %arg14[%gather3A_178, %gather3A_179] : memref<64x64xf32, #tpu.memory_space<vmem>> -> memref<64x64xf32, #tpu.memory_space<vmem>>
            %gather3A_181 = tpu.vector_load_idx %gather3A_180[%add3A_177, %sub3A_148] : memref<64x64xf32, #tpu.memory_space<vmem>>[vector<16xi32>, vector<16xi32>], vector<16xf32>,
            %swap3A_182 = arith.index_cast %select_n3A_164 : i32 to index
            %swap3A_183 = arith.constant 16 : index
            %swap3A_184 = tpu.vector_load %arg10[%swap3A_182, %swap3A_183] {strides = array<i32>} : memref<32x128xf32, #tpu.memory_space<vmem>>, vector<16xf32>,
            tpu.vector_store %arg10[%swap3A_182, %swap3A_183], %gather3A_181 {strides = array<i32>} : memref<32x128xf32, #tpu.memory_space<vmem>>, vector<16xf32>,
            %add3A_185 = arith.constant 32 : i32
            %add3A_186 = vector.broadcast %add3A_185 : i32 to vector<16xi32>
            %add3A_187 = arith.addi %iota3A, %add3A_186 : vector<16xi32>
            %gather3A_188 = arith.constant 0 : i32
            %gather3A_189 = arith.constant 0 : i32
            %gather3A_190 = tpu.memref_slice %arg14[%gather3A_188, %gather3A_189] : memref<64x64xf32, #tpu.memory_space<vmem>> -> memref<64x64xf32, #tpu.memory_space<vmem>>
            %gather3A_191 = tpu.vector_load_idx %gather3A_190[%add3A_187, %sub3A_148] : memref<64x64xf32, #tpu.memory_space<vmem>>[vector<16xi32>, vector<16xi32>], vector<16xf32>,
            %swap3A_192 = arith.index_cast %select_n3A_164 : i32 to index
            %swap3A_193 = arith.constant 32 : index
            %swap3A_194 = tpu.vector_load %arg10[%swap3A_192, %swap3A_193] {strides = array<i32>} : memref<32x128xf32, #tpu.memory_space<vmem>>, vector<16xf32>,
            tpu.vector_store %arg10[%swap3A_192, %swap3A_193], %gather3A_191 {strides = array<i32>} : memref<32x128xf32, #tpu.memory_space<vmem>>, vector<16xf32>,
            %add3A_195 = arith.constant 48 : i32
            %add3A_196 = vector.broadcast %add3A_195 : i32 to vector<16xi32>
            %add3A_197 = arith.addi %iota3A, %add3A_196 : vector<16xi32>
            %gather3A_198 = arith.constant 0 : i32
            %gather3A_199 = arith.constant 0 : i32
            %gather3A_200 = tpu.memref_slice %arg14[%gather3A_198, %gather3A_199] : memref<64x64xf32, #tpu.memory_space<vmem>> -> memref<64x64xf32, #tpu.memory_space<vmem>>
            %gather3A_201 = tpu.vector_load_idx %gather3A_200[%add3A_197, %sub3A_148] : memref<64x64xf32, #tpu.memory_space<vmem>>[vector<16xi32>, vector<16xi32>], vector<16xf32>,
            %swap3A_202 = arith.index_cast %select_n3A_164 : i32 to index
            %swap3A_203 = arith.constant 48 : index
            %swap3A_204 = tpu.vector_load %arg10[%swap3A_202, %swap3A_203] {strides = array<i32>} : memref<32x128xf32, #tpu.memory_space<vmem>>, vector<16xf32>,
            tpu.vector_store %arg10[%swap3A_202, %swap3A_203], %gather3A_201 {strides = array<i32>} : memref<32x128xf32, #tpu.memory_space<vmem>>, vector<16xf32>,
            %broadcast_in_dim3A_205 = vector.broadcast %select_n3A_164 : i32 to vector<16xi32>
            %eq3A_206 = arith.constant 0 : i32
            %eq3A_207 = vector.broadcast %eq3A_206 : i32 to vector<16xi32>
            %eq3A_208 = arith.cmpi eq, %iota3A, %eq3A_207 : vector<16xi32>
            tpu.vector_store_idx %arg11[%broadcast_in_dim3A_205], %gather3A_146 masked %eq3A_208 : memref<32xi32, #tpu.memory_space<vmem>>[vector<16xi32>], vector<16xi32>, vector<16xi1>
            %add3A_209 = arith.constant 1 : i32
            %add3A_210 = arith.addi %while3A_143, %add3A_209 : i32
            %jit3A_211 = arith.constant 32 : i32
            %eq3A_212 = arith.constant 0 : i32
            %eq3A_213 = arith.cmpi eq, %jit3A_211, %eq3A_212 : i32
            %jit3A_214 = arith.constant 1 : i32
            %select_n3A_215 = arith.select %eq3A_213, %jit3A_214, %jit3A_211 : i32
            %rem3A_216 = arith.remsi %add3A_210, %select_n3A_215 : i32
            %ne3A_217 = arith.constant 0 : i32
            %ne3A_218 = arith.cmpi ne, %rem3A_216, %ne3A_217 : i32
            %lt3A_219 = arith.constant 0 : i32
            %lt3A_220 = arith.cmpi slt, %rem3A_216, %lt3A_219 : i32
            %lt3A_221 = arith.constant 0 : i32
            %lt3A_222 = arith.cmpi slt, %select_n3A_215, %lt3A_221 : i32
            %ne3A_223 = arith.xori %lt3A_220, %lt3A_222 : i1
            %and3A_224 = arith.andi %ne3A_223, %ne3A_218 : i1
            %add3A_225 = arith.addi %rem3A_216, %select_n3A_215 : i32
            %select_n3A_226 = arith.select %and3A_224, %add3A_225, %rem3A_216 : i32
            %eq3A_227 = arith.constant 0 : i32
            %eq3A_228 = arith.cmpi eq, %select_n3A_226, %eq3A_227 : i32
            %convert_element_type3A_229 = arith.extui %eq3A_228 : i1 to i32
            %cond3A_230 = arith.constant 0 : i32
            %cond3A_231 = arith.cmpi ne, %convert_element_type3A_229, %cond3A_230 : i32
            scf.if %cond3A_231 {
              %dma_start3A_232 = arith.constant 0 : i32
              %dma_start3A_233 = arith.constant 0 : i32
              %dma_start3A_234 = tpu.memref_slice %arg5[%dma_start3A_232, %dma_start3A_233] : memref<16400x128xf32, #tpu.memory_space<hbm>> -> memref<16400x128xf32, #tpu.memory_space<hbm>>
              tpu.enqueue_indirect_dma source(%arg10 : memref<32x128xf32, #tpu.memory_space<vmem>>) target(%dma_start3A_234 : memref<16400x128xf32, #tpu.memory_space<hbm>>) offsets(%arg11 : memref<32xi32, #tpu.memory_space<vmem>>) semaphore(%arg15 : memref<!tpu.dma_semaphore, #tpu.memory_space<semaphore_mem>>)
              %dma_wait3A_235 = arith.constant 0 : i32
              %dma_wait3A_236 = arith.constant 0 : i32
              %dma_wait3A_237 = tpu.memref_slice %arg5[%dma_wait3A_235, %dma_wait3A_236] : memref<16400x128xf32, #tpu.memory_space<hbm>> -> memref<16400x128xf32, #tpu.memory_space<hbm>>
              tpu.wait_indirect_dma semaphore(%arg15 : memref<!tpu.dma_semaphore, #tpu.memory_space<semaphore_mem>>) src(%arg10 : memref<32x128xf32, #tpu.memory_space<vmem>>) dst(%dma_wait3A_237 : memref<16400x128xf32, #tpu.memory_space<hbm>>)
              %add3A_238 = arith.constant 16384 : i32
              %add3A_239 = vector.broadcast %add3A_238 : i32 to vector<16xi32>
              %add3A_240 = arith.addi %iota3A, %add3A_239 : vector<16xi32>
              %swap3A_241 = arith.constant 0 : index
              %swap3A_242 = tpu.vector_load %arg11[%swap3A_241] {strides = array<i32>} : memref<32xi32, #tpu.memory_space<vmem>>, vector<16xi32>,
              tpu.vector_store %arg11[%swap3A_241], %add3A_240 {strides = array<i32>} : memref<32xi32, #tpu.memory_space<vmem>>, vector<16xi32>,
              %add3A_243 = arith.constant 16384 : i32
              %add3A_244 = vector.broadcast %add3A_243 : i32 to vector<16xi32>
              %add3A_245 = arith.addi %iota3A, %add3A_244 : vector<16xi32>
              %swap3A_246 = arith.constant 16 : index
              %swap3A_247 = tpu.vector_load %arg11[%swap3A_246] {strides = array<i32>} : memref<32xi32, #tpu.memory_space<vmem>>, vector<16xi32>,
              tpu.vector_store %arg11[%swap3A_246], %add3A_245 {strides = array<i32>} : memref<32xi32, #tpu.memory_space<vmem>>, vector<16xi32>,
            } else {
            }
            scf.yield %add3A_210 : i32
          }
          scf.yield %while3A_141 : i32
        } else {
          scf.yield %while3A_109 : i32
        }
        scf.yield %cond3A_122 : i32
      }
    } else {
    }
    %dma_start3A_81 = arith.constant 0 : i32
    %dma_start3A_82 = arith.constant 0 : i32
    %dma_start3A_83 = tpu.memref_slice %arg5[%dma_start3A_81, %dma_start3A_82] : memref<16400x128xf32, #tpu.memory_space<hbm>> -> memref<16400x128xf32, #tpu.memory_space<hbm>>
    tpu.enqueue_indirect_dma source(%arg10 : memref<32x128xf32, #tpu.memory_space<vmem>>) target(%dma_start3A_83 : memref<16400x128xf32, #tpu.memory_space<hbm>>) offsets(%arg11 : memref<32xi32, #tpu.memory_space<vmem>>) semaphore(%arg15 : memref<!tpu.dma_semaphore, #tpu.memory_space<semaphore_mem>>)
    %dma_wait3A = arith.constant 0 : i32
    %dma_wait3A_84 = arith.constant 0 : i32
    %dma_wait3A_85 = tpu.memref_slice %arg5[%dma_wait3A, %dma_wait3A_84] : memref<16400x128xf32, #tpu.memory_space<hbm>> -> memref<16400x128xf32, #tpu.memory_space<hbm>>
    tpu.wait_indirect_dma semaphore(%arg15 : memref<!tpu.dma_semaphore, #tpu.memory_space<semaphore_mem>>) src(%arg10 : memref<32x128xf32, #tpu.memory_space<vmem>>) dst(%dma_wait3A_85 : memref<16400x128xf32, #tpu.memory_space<hbm>>)
    %add3A_86 = arith.constant 16384 : i32
    %add3A_87 = vector.broadcast %add3A_86 : i32 to vector<16xi32>
    %add3A_88 = arith.addi %iota3A, %add3A_87 : vector<16xi32>
    %swap3A_89 = arith.constant 0 : index
    %swap3A_90 = tpu.vector_load %arg11[%swap3A_89] {strides = array<i32>} : memref<32xi32, #tpu.memory_space<vmem>>, vector<16xi32>,
    tpu.vector_store %arg11[%swap3A_89], %add3A_88 {strides = array<i32>} : memref<32xi32, #tpu.memory_space<vmem>>, vector<16xi32>,
    %add3A_91 = arith.constant 16384 : i32
    %add3A_92 = vector.broadcast %add3A_91 : i32 to vector<16xi32>
    %add3A_93 = arith.addi %iota3A, %add3A_92 : vector<16xi32>
    %swap3A_94 = arith.constant 16 : index
    %swap3A_95 = tpu.vector_load %arg11[%swap3A_94] {strides = array<i32>} : memref<32xi32, #tpu.memory_space<vmem>>, vector<16xi32>,
    tpu.vector_store %arg11[%swap3A_94], %add3A_93 {strides = array<i32>} : memref<32xi32, #tpu.memory_space<vmem>>, vector<16xi32>,
    return
  }
}

</mosaic_0001>

<sc_bundles>
// kernel: kernel.3.cloned.1.call-start
scs
__scs_entry_jumppad:
0x0: {  	(pc) =	sbr.rel $0x88, $3  }
0x1: {  	(tag) =	ssettag $0x0;
	lr =	simm.s32 $0x1  }
0x2: {  	[smem:$0x3F9F] =	sst lr;
	_ =	strace $0xD0000000  }
0x3: {  	_ = 	snop  }
0x4: {  	_ = 	snop  }
0x5: {  	_ = 	snop  }
0x6: {  	_ = 	snop  }
0x7: {  	_ = 	snop  }
__scs_overlays_trampoline_lowered:
0x8: {  	[smem:$0x3FAE] =	sst s0  }
0x9: {  	[smem:$0x3FAF] =	sst s1  }
0xa: {  	[smem:$0x3FB0] =	sst s2  }
0xb: {  	[smem:$0x3FB1] =	sst s3  }
0xc: {  	[smem:$0x3FB2] =	sst s4  }
0xd: {  	[smem:$0x3FB3] =	sst s5  }
0xe: {  	[smem:$0x3FB4] =	sst s6  }
0xf: {  	[smem:$0x3FB5] =	sst s7  }
0x10: {  	[smem:$0x3FB6] =	sst s8  }
0x11: {  	[smem:$0x3FB7] =	sst s9;
	s0 =	simm.s32 @!p0 $0x0  }
0x12: {  	s1 =	sld [smem:$0x3F9D];
	s0 =	simm.s32 @p0 $0x1  }
0x13: {  	[smem:$0x3FB8] =	sst s0;
	s0 =	simm.s32 @!p1 $0x0  }
0x14: {  	s2 =	sld [smem:$0x3F9C];
	s0 =	simm.s32 @p1 $0x1  }
0x15: {  	[smem:$0x3FB9] =	sst s0;
	s0 =	simm.s32 @!p2 $0x0  }
0x16: {  	s3 =	sld [smem:$0x3FDB];
	s0 =	simm.s32 @p2 $0x1  }
0x17: {  	s4 =	simm.s32 $0x1BF5;
	[smem:$0x3FBB] =	sst s0  }
0x18: {  	s0 =	sld [smem:$0x3F9E];
	_ =	swait.ge [sflag:s4], $0x0  }
0x19: {  	s7 =	sld [smem:$0x3F9F]  }
0x1a: {  	s8 =	sadd.s32 $0xFFFFE003, lr  }
0x1b: {  	s9 =	sadd.s32 $0xFFFFFEF7, lr;
	s5 =	simm.s32 $0xFFFFFFFF;
	p2 =	slt.u32 s8, $0xFFFFF086  }
0x1c: {  	p1 =	slt.u32 s9, $0xF7A;
	s5 =	simm.s32 @!p2 $0x0  }
0x1d: {  	s5 =	simm.s32 @p1 $0x1;
	p0 =	seq.s32 s7, s2  }
0x1e: {  	s7 =	smul.u32 @!p0 $0xF7A, s2;
	p2 =	seq.s32 @!p0 s5, $0x0  }
0x1f: {  	s9 =	smul.u32 $0xF7A, s1;
	s8 =	simm.s32 @!p0 $0x1BF5;
	p2 =	por !p2, p0  }
0x20: {  	[sflag:s8] =	ssyncset.s32 @!p0 $0xFFFFF086;
	s6 =	sadd.s32 @!p0 s3, s7;
	s7 =	simm.s32 @!p0 $0x108  }
0x21: {  	s3 =	sadd.s32 s3, s9;
	s6 =	sadd.s32 @!p0 $0x88, s6;
	s7 =	simm.s32 @p2 $0x1082  }
0x22: {  	[simem:s7], [sflag:s8] =	dma.local @!p0 [hbm:s6], $0xF7A  }
0x23: {  	s9 =	sor.u32 $0xD0000000, s2;
	s6 =	simm.s32 $0x108;
	_ =	swait.ge @!p0 [sflag:s8], $0x0  }
0x24: {  	s3 =	sadd.s32 $0x88, s3;
	s6 =	simm.s32 @!p1 $0x1082;
	[sflag:s4] =	ssyncset.s32 $0xFFFFF086  }
0x25: {  	[simem:s6], [sflag:s4] =	dma.local [hbm:s3], $0xF7A  }
0x26: {  	[smem:$0x3F9F] =	sst s1;
	(tag) =	ssettag s2;
	_ =	strace s9  }
0x27: {  	s1 =	sld [smem:$0x3FAF]  }
0x28: {  	s2 =	sld [smem:$0x3FB0]  }
0x29: {  	s4 =	sld [smem:$0x3FB2]  }
0x2a: {  	p0 =	seq.s32 s5, $0x0;
	s5 =	sld [smem:$0x3FB3]  }
0x2b: {  	s6 =	sld [smem:$0x3FB4]  }
0x2c: {  	s7 =	sld [smem:$0x3FB5]  }
0x2d: {  	s3 =	simm.s32 $0x108;
	s8 =	sld [smem:$0x3FB6]  }
0x2e: {  	s3 =	simm.s32 @!p0 $0x1082;
	s9 =	sld [smem:$0x3FB7]  }
0x2f: {  	lr =	sadd.s32 s0, s3;
	s0 =	sld [smem:$0x3FAE]  }
0x30: {  	s3 =	sld [smem:$0x3FB1]  }
0x31: {  	[smem:$0x3FBA] =	sst s10  }
0x32: {  	s10 =	sld [smem:$0x3FB8];
	_ =	sdelay $0x3  }
0x33: {  	p0 =	seq.s32 s10, $0x1;
	s10 =	sld [smem:$0x3FBA];
	_ =	sdelay $0x3  }
0x34: {  	[smem:$0x3FBA] =	sst s10  }
0x35: {  	s10 =	sld [smem:$0x3FB9];
	_ =	sdelay $0x3  }
0x36: {  	p1 =	seq.s32 s10, $0x1;
	s10 =	sld [smem:$0x3FBA];
	_ =	sdelay $0x3  }
0x37: {  	[smem:$0x3FBA] =	sst s10  }
0x38: {  	s10 =	sld [smem:$0x3FBB]  }
0x39: {  	_ = 	snop;
	(pc) =	sbr.ind lr, $3  }
0x3a: {  	_ = 	snop  }
0x3b: {  	_ = 	snop  }
0x3c: {  	p2 =	seq.s32 s10, $0x1;
	s10 =	sld [smem:$0x3FBA]  }
0x3d: {  	_ =	shalt  }
0x3e: {  	_ =	shalt  }
0x3f: {  	_ =	shalt  }
0x40: {  	_ =	shalt  }
0x41: {  	_ =	shalt  }
0x42: {  	_ =	shalt  }
0x43: {  	_ =	shalt  }
0x44: {  	_ =	shalt  }
0x45: {  	_ =	shalt  }
0x46: {  	_ =	shalt  }
0x47: {  	_ =	shalt  }
0x48: {  	_ =	shalt  }
0x49: {  	_ =	shalt  }
0x4a: {  	_ =	shalt  }
0x4b: {  	_ =	shalt  }
0x4c: {  	_ =	shalt  }
0x4d: {  	_ =	shalt  }
0x4e: {  	_ =	shalt  }
0x4f: {  	_ =	shalt  }
0x50: {  	_ =	shalt  }
0x51: {  	_ =	shalt  }
0x52: {  	_ =	shalt  }
0x53: {  	_ =	shalt  }
0x54: {  	_ =	shalt  }
0x55: {  	_ =	shalt  }
0x56: {  	_ =	shalt  }
0x57: {  	_ =	shalt  }
0x58: {  	_ =	shalt  }
0x59: {  	_ =	shalt  }
0x5a: {  	_ =	shalt  }
0x5b: {  	_ =	shalt  }
0x5c: {  	_ =	shalt  }
0x5d: {  	_ =	shalt  }
0x5e: {  	_ =	shalt  }
0x5f: {  	_ =	shalt  }
0x60: {  	_ =	shalt  }
0x61: {  	_ =	shalt  }
0x62: {  	_ =	shalt  }
0x63: {  	_ =	shalt  }
0x64: {  	_ =	shalt  }
0x65: {  	_ =	shalt  }
0x66: {  	_ =	shalt  }
0x67: {  	_ =	shalt  }
0x68: {  	_ =	shalt  }
0x69: {  	_ =	shalt  }
0x6a: {  	_ =	shalt  }
0x6b: {  	_ =	shalt  }
0x6c: {  	_ =	shalt  }
0x6d: {  	_ =	shalt  }
0x6e: {  	_ =	shalt  }
0x6f: {  	_ =	shalt  }
0x70: {  	_ =	shalt  }
0x71: {  	_ =	shalt  }
0x72: {  	_ =	shalt  }
0x73: {  	_ =	shalt  }
0x74: {  	_ =	shalt  }
0x75: {  	_ =	shalt  }
0x76: {  	_ =	shalt  }
0x77: {  	_ =	shalt  }
0x78: {  	_ =	shalt  }
0x79: {  	_ =	shalt  }
0x7a: {  	_ =	shalt  }
0x7b: {  	_ =	shalt  }
0x7c: {  	_ =	shalt  }
0x7d: {  	_ =	shalt  }
0x7e: {  	_ =	shalt  }
0x7f: {  	_ =	shalt  }
0x80: {  	_ =	shalt  }
0x81: {  	_ =	shalt  }
0x82: {  	_ =	shalt  }
0x83: {  	_ =	shalt  }
0x84: {  	_ =	shalt  }
0x85: {  	_ =	shalt  }
0x86: {  	_ =	shalt  }
0x87: {  	_ =	shalt  }
.Lfunc_end0:
.L_simem_size_0:
called_computation_lowered:
.L_overlay_start_0:
0x88: {  	s2 =	sld [smem:$0x3FD9]  }
0x89: {  	s3 =	sld [smem:$0x3FFE];
	_ =	sdelay $0x1  }
0x8a: {  	s1 =	srdreg.scid  }
0x8b: {  	s0 =	sand.u32 $0x1, s1  }
0x8c: {  	s17 =	sshll.u32 s0, $0xA;
	s2 =	sadd.s32 s3, s2  }
0x8d: {  	s2 =	sadd.s32 s2, s17  }
0x8e: {  	[smem:$0x3FC6] =	sst s2  }
0x8f: {  	_ = 	snop  }
0x90: {  	s2 =	sld [smem:$0x3FC9]  }
0x91: {  	s18 =	sld [smem:$0x3FC8]  }
0x92: {  	s4 =	sld [smem:$0x3FD0];
	(tm) =	ssettm $0x1  }
0x93: {  	s5 =	sld [smem:$0x3FFB];
	_ =	sdelay $0x3  }
0x94: {  	_ =	strace s5  }
0x95: {  	s5 =	sld [smem:$0x3FFC];
	_ =	sdelay $0x3  }
0x96: {  	_ =	strace s5  }
0x97: {  	s5 =	sld [smem:$0x3FFD];
	_ =	sdelay $0x3  }
0x98: {  	_ =	strace s5  }
0x99: {  	_ =	strace $0x8FFFFFFF  }
0x9a: {  	s19 =	sld [smem:$0x3FDB];
	_ =	sdelay $0x1  }
0x9b: {  	s6 =	simm.s32 $_scs_section_size  }
0x9c: {  	s7 =	simm.s32 $_size__tile_overlayer_lowered;
	s8 =	simm.s32 $_tile_overlayer_lowered  }
0x9d: {  	s22 =	simm.s32 $0x1BFF;
	s21 =	sshll.u32 s8, $0x1;
	s5 =	sadd.s32 s6, s19  }
0x9e: {  	s9 =	simm.s32 $0x0;
	s20 =	sshll.u32 s7, $0x1;
	s7 =	sadd.s32 s21, s5  }
0x9f: {  	[timem:s9], [sflag:s22] =	dma.local [hbm:s7], s20  }
0xa0: {  	_ =	swait.ge [sflag:s22], s20  }
0xa1: {  	s6 =	ssub.s32 $0x0, s20;
	[sflag:s22] =	ssyncset.done $0x0  }
0xa2: {  	[sflag:s22] =	ssyncadd.s32 s6;
	_ =	sdelay $0x1  }
0xa3: {  	s23 =	simm.s32 $0x1B8B  }
0xa4: {  	_ =	swait.ge [sflag:s23], $0x1  }
0xa5: {  	[sflag:s23] =	ssyncset.done $0x0  }
0xa6: {  	s25 =	simm.s32 $0x1B8E;
	s24 =	sld [smem:$0x3FFE];
	[sflag:s23] =	ssyncadd.s32 $0xFFFFFFFF  }
0xa7: {  	s26 =	simm.s32 $execute0_lowered;
	[smem:$0x3FD2] =	sst s25  }
0xa8: {  	s7 =	sshll.u32 s26, $0x1;
	_ =	strace $0x80000046;
	[dreg:$0x1] =	wrdreg $0xFFFFFFFF  }
0xa9: {  	s28 =	simm.s32 $_size_execute0_lowered;
	s5 =	sadd.s32 s5, s7;
	[dreg:$0x0] =	wrdreg $0x0  }
0xaa: {  	s7 =	sshll.u32 s28, $0x1;
	[dreg:$0x2] =	wrdreg s5  }
0xab: {  	[dreg:$0x3] =	wrdreg s7  }
0xac: {  	[dreg:$0x4] =	wrdreg $0xC0  }
0xad: {  	_ =	task [dreg:s9], $0x5FFFF  }
0xae: {  	[dreg:$0x1] =	wrdreg $0xFFFFFFFF  }
0xaf: {  	[dreg:$0x0] =	wrdreg $0x60  }
0xb0: {  	[dreg:$0x2] =	wrdreg s2  }
0xb1: {  	[dreg:$0x3] =	wrdreg s18  }
0xb2: {  	[dreg:$0x4] =	wrdreg s4  }
0xb3: {  	[dreg:$0x5] =	wrdreg s24  }
0xb4: {  	[dreg:$0x6] =	wrdreg $0x9  }
0xb5: {  	_ =	task.clear_ibuf [dreg:s9], $0x7FFFF;
	_ =	strace $0x90000046  }
0xb6: {  	s29 =	simm.s32 $0x9;
	_ =	strace $0x80000048  }
0xb7: {  	_ =	swait.ge [sflag:s29], $0x1  }
0xb8: {  	[sflag:s29] =	ssyncadd.s32 $0xFFFFFFFF  }
0xb9: {  	_ =	strace $0x90000048  }
0xba: {  	_ =	sfence  }
0xbb: {  	s30 =	sld [smem:$0x0];
	_ =	sdelay $0x2  }
0xbc: {  	s31 =	sshll.u32 s1, $0xD;
	s1 =	sshrl.u32 s1, $0x2  }
0xbd: {  	s3 =	sand.u32 $0x4000, s31;
	s1 =	sadd.s32 s1, s30  }
0xbe: {  	s0 =	sor.u32 s3, s0;
	s1 =	sshll.u32 s1, $0x11  }
0xbf: {  	s0 =	sor.u32 s1, s0  }
0xc0: {  	s0 =	sadd.s32 $0x8F2B, s0  }
0xc1: {  	[sflag:s0] =	ssyncadd.remote.s32 $0x1  }
0xc2: {  	_ =	sfence.sel $0xFFFF  }
0xc3: {  	[dreg:$0x0] =	wrdreg $0xFFFFFFFF;
	(pc) =	sbr.abs _section_cstart, $3  }
0xc4: {  	[dreg:$0x1] =	wrdreg $0xFFFFFFFF  }
0xc5: {  	_ =	task.clear_ibuf [dreg:s9], $0x2FFFF;
	_ =	strace $0x9FFFFFFF  }
0xc6: {  	(tm) =	ssettm $0x7FFFFFFF  }
0xc7: {  	_ =	shalt  }
tec
execute0_lowered:
.L_overlay_start_1:
0x0: {  	(tag) =	ssettag $0x1  }
0x1: {  	v0 =	vimm.s32 $0x1380;
	vm14 =	vcmask $0x300;
	vm13 =	vcmask $0x704  }
0x2: {  	vm10 =	vcmask $0xB08;
	vm11 =	vcmask $0xF0C;
	vm12 =	vcmask $0x1310  }
0x3: {  	vm9 =	vcmask $0x1714;
	vm8 =	vcmask $0x1B18;
	vm7 =	vcmask $0x1F1C  }
0x4: {  	vm6 =	vcmask $0x2320;
	vm5 =	vcmask $0x2724;
	vm4 =	vcmask $0x2B28  }
0x5: {  	vm3 =	vcmask $0x2F2C;
	vm2 =	vcmask $0x3330;
	vm0 =	vcmask $0x3734  }
0x6: {  	vm1 =	vcmask $0x3B38;
	v7 =	vimm.s32 $0x3380;
	v8 =	vimm.s32 $0x5380  }
0x7: {  	v9 =	vimm.s32 $0x7380;
	v0 =	vsel vm14, $0x0, v0;
	v7 =	vsel vm14, $0x2000, v7  }
0x8: {  	v8 =	vsel vm14, $0x4000, v8;
	v9 =	vsel vm14, $0x6000, v9;
	v0 =	vsel vm13, $0x80, v0  }
0x9: {  	v7 =	vsel vm13, $0x2080, v7;
	v8 =	vsel vm13, $0x4080, v8;
	v9 =	vsel vm13, $0x6080, v9  }
0xa: {  	v0 =	vsel vm10, $0x100, v0;
	v7 =	vsel vm10, $0x2100, v7;
	v8 =	vsel vm10, $0x4100, v8  }
0xb: {  	s0 =	srdreg.scid;
	s1 =	stileid.u32;
	v9 =	vsel vm10, $0x6100, v9;
	v0 =	vsel vm11, $0x180, v0;
	v7 =	vsel vm11, $0x2180, v7  }
0xc: {  	s2 =	sand.u32 $0x1, s0;
	s30 =	sshll.u32 s1, $0x1;
	v8 =	vsel vm11, $0x4180, v8;
	v9 =	vsel vm11, $0x6180, v9;
	v0 =	vsel vm12, $0x200, v0  }
0xd: {  	s0 =	sor.u32 s2, s30;
	v7 =	vsel vm12, $0x2200, v7;
	v8 =	vsel vm12, $0x4200, v8;
	v9 =	vsel vm12, $0x6200, v9  }
0xe: {  	s1 =	smul.u32 $0x7A00, s0;
	v0 =	vsel vm9, $0x280, v0;
	v7 =	vsel vm9, $0x2280, v7;
	v8 =	vsel vm9, $0x4280, v8  }
0xf: {  	v9 =	vsel vm9, $0x6280, v9;
	v0 =	vsel vm8, $0x300, v0;
	v7 =	vsel vm8, $0x2300, v7  }
0x10: {  	p0 =	seq.s32 s0, $0x1F;
	s3 =	sadd.s32 $0x7A00, s1;
	v8 =	vsel vm8, $0x4300, v8;
	v9 =	vsel vm8, $0x6300, v9;
	v1 =	vsel vm7, $0x380, v0  }
0x11: {  	s3 =	simm.s32 @p0 $0xF4240;
	v0 =	vmov s1;
	v7 =	vsel vm7, $0x2380, v7;
	v8 =	vsel vm7, $0x4380, v8  }
0x12: {  	v9 =	vsel vm7, $0x6380, v9;
	v2 =	vsel vm6, $0x1000, v1;
	v1 =	vmov s3  }
0x13: {  	v7 =	vsel vm6, $0x3000, v7;
	v8 =	vsel vm6, $0x5000, v8;
	v9 =	vsel vm6, $0x7000, v9  }
0x14: {  	v3 =	vsel vm5, $0x1080, v2;
	v2 =	vimm.s32 $0x0;
	v7 =	vsel vm5, $0x3080, v7  }
0x15: {  	v8 =	vsel vm5, $0x5080, v8;
	v9 =	vsel vm5, $0x7080, v9;
	v4 =	vsel vm4, $0x1100, v3  }
0x16: {  	s4 =	rddreg [dreg:$0x3];
	s6 =	simm.s32 $0x0;
	s8 =	simm.s32 $0x3E;
	v3 =	vlaneseq.u32;
	v7 =	vsel vm4, $0x3100, v7;
	v8 =	vsel vm4, $0x5100, v8  }
0x17: {  	s15 =	simm.s32 $0x3;
	s16 =	simm.s32 $0x4000;
	s17 =	simm.s32 $0x8080;
	v9 =	vsel vm4, $0x7100, v9;
	v5 =	vsel vm3, $0x1180, v4;
	v4 =	vimm.s32 $0xFFFFFFFF  }
0x18: {  	s18 =	simm.s32 $0x1;
	s19 =	simm.s32 $0x2;
	s20 =	simm.s32 $0x1D180;
	v7 =	vsel vm3, $0x3180, v7;
	v8 =	vsel vm3, $0x5180, v8;
	v9 =	vsel vm3, $0x7180, v9  }
0x19: {  	s21 =	simm.s32 $0x1D200;
	s22 =	simm.s32 $0x1D100;
	s23 =	simm.s32 $0x1D280;
	v13 =	vmul.u32 $0x80, v3;
	v5 =	vsel vm2, $0x1200, v5;
	v7 =	vsel vm2, $0x3200, v7  }
.Ltmp0:
0x1a: {  	s25 =	simm.s32 $0x1C100;
	s2 =	ssub.s32 $0x2, s2;
	v8 =	vsel vm2, $0x5200, v8;
	v9 =	vsel vm2, $0x7200, v9;
	v6 =	vsel vm0, $0x1280, v5;
	(pc) =	sbr.rel .LBB2_1-.Ltmp0, $4  }
0x1b: {  	s26 =	simm.s32 $0x0;
	[smem:$0x7FF] =	sst s6;
	s31 =	sshrl.u32 s2, $0x1;
	v5 =	vor.u32 $0x4000, v3;
	v7 =	vsel vm0, $0x3280, v7;
	v8 =	vsel vm0, $0x5280, v8  }
0x1c: {  	s7 =	sadd.s32 $0x400, s4;
	s10 =	smul.u32 $0x3D000, s0;
	s2 =	ssub.s32 s2, s31;
	v9 =	vsel vm0, $0x7280, v9;
	v10 =	vadd.s32 $0xFFF0BE00, v13;
	v11 =	vadd.s32 $0xFFF0C600, v13  }
0x1d: {  	s8 =	simm.s32 @!p0 $0x3D;
	s11 =	smax.u32 s2, $0x1;
	s3 =	rddreg [dreg:$0x1];
	v12 =	vadd.s32 $0xFFF0CE00, v13;
	v13 =	vadd.s32 $0xFFF0D600, v13;
	v6 =	vsel vm1, $0x1300, v6  }
0x1e: {  	p0 =	sne.s32 s0, $0x1F;
	_ =	strace $0x80000047;
	s9 =	sadd.s32 s3, s1;
	v7 =	vsel vm1, $0x3300, v7;
	v8 =	vsel vm1, $0x5300, v8;
	v9 =	vsel vm1, $0x7300, v9  }
.LBB2_26:
0x1f: {  	s0 =	simm.s32 $0x20;
	s26 =	sadd.s32 $0x1, s26  }
0x20: {  	[hbm4b:s7+s0] =	stream.indirect.scatter [tilespmem:s25], [sflag:$0x1], $0x80, s22, s0, $0xb8;
	[tilespmem:$0x1F280] =	vst v63  }
0x21: {  	p1 =	sne.s32 s26, s11  }
.Ltmp1:
0x22: {  	_ =	swait.ge [sflag:s18], $0x1000;
	(pc) =	sbr.rel @!p1 .LBB2_27-.Ltmp1, $4  }
0x23: {  	[sflag:s18] =	ssyncset.done $0x0  }
0x24: {  	[sflag:s18] =	ssyncadd.s32 $0xFFFFF000  }
0x25: {  	[tilespmem:$0x1D100] =	vst v5  }
0x26: {  	[tilespmem:$0x1D110] =	vst v5  }
.LBB2_1:
0x27: {  	s0 =	simm.s32 $0x1000;
	s2 =	simm.s32 $0x7A1400;
	s4 =	simm.s32 $0xC100  }
0x28: {  	[tilespmem:s4], [sflag:$0x2] =	stream.strided.gather [hbm4b:s9+s0], $0x8000, s2, s0, $0x38;
	[tilespmem:$0x1F280] =	vst v63  }
0x29: {  	s31 =	rddreg [dreg:$0x0]  }
0x2a: {  	[tilespmem:s6], [sflag:$0x3] =	stream.linear.gather [hbm4b:s31+s6], $0x4000, $0x38;
	[tilespmem:$0x1F280] =	vst v63  }
0x2b: {  	_ =	swait.ge [sflag:s15], $0x4000  }
0x2c: {  	[sflag:s15] =	ssyncset.done $0x0  }
0x2d: {  	[sflag:s15] =	ssyncadd.s32 $0xFFFFC000  }
0x2e: {  	v14 =	vld [tilespmem:s6+$0x0];
	_ =	sdelay $0x4  }
0x2f: {  	vm0 =	vge.s32 v14, v0;
	vm1 =	vlt.s32 v14, v1  }
0x30: {  	vm0 =	vmand vm0, vm1  }
0x31: {  	v15 =	vmpcnt.ones.xlane vm0  }
0x32: {  	v16 =	vsel vm0, $0x1, v2  }
0x33: {  	(xrf0) =	vadd.scan.msk.s32 $0xffff, v16;
	(v2sf) =	vpush v15, $0x0;
	_ =	sdelay $0x2  }
0x34: {  	v15 =	vmov s6  }
0x35: {  	v15 =	vadd.s32 $0xFFFFFFFF, v15  }
0x36: {  	v15 =	vbroadcast v15, $0x0  }
0x37: {  	v16, _, _ =	vpop (xrf0)  }
0x38: {  	v15 =	vadd.s32 v16, v15;
	_ =	sdelay $0x4  }
0x39: {  	[tilespmem:v15+s16+$0x0] =	vst.idx.msk vm0, v14;
	v14 =	vor.u32 s6, v3  }
0x3a: {  	s0 =	simm.s32 $0x10;
	[tilespmem:v15+s17+$0x0] =	vst.idx.msk vm0, v14  }
0x3b: {  	s5 =	simm.s32 $0x10;
	v14 =	vld [tilespmem:s0+$0x0]  }
0x3c: {  	s4 =	simm.s32 $0x20;
	s2 =	simm.s32 $0x0;
	s12 =	spop (v2sf)  }
.LBB2_2:
0x3d: {  	p1 =	sne.s32 s4, $0x3FF0  }
0x3e: {  	s2 =	sadd.s32 s2, s12;
	s12 =	smov.u32 s4;
	s4 =	sadd.s32 $0x10, s4  }
0x3f: {  	v15 =	vmov s2  }
0x40: {  	vm0 =	vge.s32 v14, v0;
	vm1 =	vlt.s32 v14, v1;
	v15 =	vadd.s32 $0xFFFFFFFF, v15  }
0x41: {  	vm0 =	vmand vm0, vm1  }
0x42: {  	v16 =	vsel vm0, $0x1, v2;
	v17 =	vmpcnt.ones.xlane vm0  }
0x43: {  	(xrf0) =	vadd.scan.msk.s32 $0xffff, v16  }
0x44: {  	(v2sf) =	vpush v17, $0x0;
	_ =	sdelay $0x3  }
0x45: {  	v15 =	vbroadcast v15, $0x0  }
0x46: {  	v16, _, _ =	vpop (xrf0)  }
0x47: {  	v15 =	vadd.s32 v16, v15;
	_ =	sdelay $0x4  }
.Ltmp2:
0x48: {  	[tilespmem:v15+s16+$0x0] =	vst.idx.msk vm0, v14;
	v14 =	vor.u32 s0, v3;
	s0 =	smov.u32 s12;
	(pc) =	sbr.rel @p1 .LBB2_2-.Ltmp2, $3  }
0x49: {  	s5 =	sadd.s32 $0x10, s5;
	[tilespmem:v15+s17+$0x0] =	vst.idx.msk vm0, v14  }
0x4a: {  	v14 =	vld [tilespmem:s5+$0x0];
	_ =	sdelay $0x1  }
0x4b: {  	s12 =	spop (v2sf)  }
0x4c: {  	_ =	sdelay $0x1  }
0x4d: {  	vm0 =	vge.s32 v14, v0;
	vm1 =	vlt.s32 v14, v1  }
0x4e: {  	vm0 =	vmand vm0, vm1  }
0x4f: {  	v15 =	vmpcnt.ones.xlane vm0;
	_ =	sdelay $0x1  }
0x50: {  	(v2sf) =	vpush v15, $0x0;
	_ =	sdelay $0x6  }
0x51: {  	v15 =	vsel vm0, $0x1, v2  }
0x52: {  	(xrf0) =	vadd.scan.msk.s32 $0xffff, v15;
	_ =	sdelay $0x1  }
0x53: {  	s2 =	sadd.s32 s2, s12  }
0x54: {  	v15 =	vmov s2  }
0x55: {  	v15 =	vadd.s32 $0xFFFFFFFF, v15  }
0x56: {  	v15 =	vbroadcast v15, $0x0  }
0x57: {  	v16, _, _ =	vpop (xrf0)  }
0x58: {  	v15 =	vadd.s32 v16, v15;
	s4 =	spop (v2sf)  }
0x59: {  	s2 =	sadd.s32 s2, s4  }
0x5a: {  	v63 =	vadd.s32 s2, v3;
	s2 =	sadd.s32 $0xF, s2  }
0x5b: {  	s14 =	sand.u32 $0xF, s2  }
0x5c: {  	s24 =	sshra.s32 s2, $0x1F;
	p2 =	slt.s32 s2, $0x1;
	p1 =	sne.s32 s14, $0x0  }
.Ltmp3:
0x5d: {  	[tilespmem:v15+s16+$0x0] =	vst.idx.msk vm0, v14;
	v14 =	vor.u32 s0, v3;
	s31 =	sshrl.u32 s24, $0x1C;
	p1 =	por !p2, !p1;
	(pc) =	sbr.rel .LBB2_5-.Ltmp3, $4  }
0x5e: {  	[tilespmem:v15+s17+$0x0] =	vst.idx.msk vm0, v14;
	s0 =	sadd.s32 s31, s2;
	s2 =	simm.s32 $0x1;
	p1 =	por !p1, !p1  }
0x5f: {  	s0 =	sshra.s32 s0, $0x4;
	[tilespmem:v63+s16+$0x0] =	vst.idx.msk $0xffff, v4;
	s2 =	simm.s32 @!p1 $0x0  }
0x60: {  	s28 =	ssub.s32 s0, s2;
	[tilespmem:$0x1D100] =	vst v5  }
0x61: {  	s30 =	simm.s32 $0x0;
	s29 =	simm.s32 $0x0;
	[tilespmem:$0x1D110] =	vst v5;
	p1 =	slt.s32 s28, $0x1  }
.LBB2_4:
0x62: {  	p2 =	seq.s32 s30, s8  }
.Ltmp4:
0x63: {  	_ = 	snop;
	(pc) =	sbr.rel @p2 .LBB2_16-.Ltmp4, $1  }
0x64: {  	_ =	sdelay $0x3  }
.LBB2_5:
0x65: {  	s0 =	smov.u32 s30;
	s30 =	sadd.s32 $0x1, s30  }
0x66: {  	_ =	swait.ge [sflag:s19], $0x8000;
	p2 =	sge.u32 s30, s8  }
.Ltmp5:
0x67: {  	[sflag:s19] =	ssyncset.done $0x0;
	s2 =	sshll.u32 @!p2 s30, $0xC;
	(pc) =	sbr.rel @p1 .LBB2_4-.Ltmp5, $4  }
0x68: {  	s4 =	sshll.u32 @!p2 s30, $0xF;
	[sflag:s19] =	ssyncadd.s32 $0xFFFF8000;
	s2 =	sadd.s32 @!p2 s10, s2  }
0x69: {  	s5 =	simm.s32 @!p2 $0x1000;
	s4 =	sand.u32 @!p2 $0x8000, s4;
	s2 =	sshrl.u32 @!p2 s2, $0x3  }
0x6a: {  	s12 =	simm.s32 @!p2 $0x7A1400;
	s4 =	sadd.s32 @!p2 $0xC100, s4;
	s2 =	sadd.s32 @!p2 s3, s2  }
0x6b: {  	[tilespmem:s4], [sflag:$0x2] =	stream.strided.gather @!p2 [hbm4b:s2+s5], $0x8000, s12, s5, $0x38;
	[tilespmem:$0x1F280] =	vst v63  }
.Ltmp6:
0x6c: {  	(pc) =	sbr.rel .LBB2_7-.Ltmp6, $4  }
0x6d: {  	s2 =	sshll.u32 s0, $0x9  }
0x6e: {  	s24 =	sshll.u32 s0, $0xF;
	s2 =	sadd.s32 s1, s2  }
0x6f: {  	s0 =	sand.u32 $0x8000, s24;
	s4 =	sadd.s32 $0x200, s2  }
0x70: {  	s5 =	simm.s32 $0x0;
	s31 =	sadd.s32 $0xC100, s0;
	v14 =	vmov s2;
	v15 =	vmov s4  }
.LBB2_9:
0x71: {  	s0 =	simm.s32 $0x1  }
.LBB2_14:
0x72: {  	p2 =	por p4, !p2  }
0x73: {  	[sflag:s12] =	ssyncadd.s32 @!p2 $0xFFFFF000  }
0x74: {  	[tilespmem:$0x1D100] =	vst @!p2 v17  }
0x75: {  	[tilespmem:$0x1D110] =	vst @!p2 v17  }
0x76: {  	v17 =	vld.idx.msk [tilespmem:v16+s20+$0x0], $0xffff;
	_ =	sdelay $0x4  }
0x77: {  	v18 =	vsub.s32 v17, v14  }
0x78: {  	v18 =	vshll.u32 v18, $0x3  }
0x79: {  	v17 =	vand.u32 $0x7F, v17;
	v18 =	vand.u32 $0xFFFFFC00, v18  }
0x7a: {  	v17 =	vor.u32 v17, v18  }
0x7b: {  	v18 =	vadd.s32 v6, v17;
	_ =	sdelay $0x4  }
0x7c: {  	v18 =	vld.idx.msk [tilespmem:v18+s31+$0x0], $0xffff  }
0x7d: {  	v19 =	vadd.s32 v7, v17  }
0x7e: {  	s2 =	sadd.s32 s13, s29  }
0x7f: {  	s4 =	sand.u32 $0x1F, s2  }
0x80: {  	s24 =	sshll.u32 s4, $0x7  }
0x81: {  	v16 =	vld.idx.msk [tilespmem:v16+s21+$0x0], $0xffff;
	[tilespmem:s24+$0x1C100] =	vst v18  }
0x82: {  	v18 =	vld.idx.msk [tilespmem:v19+s31+$0x0], $0xffff  }
0x83: {  	v62 =	vadd.s32 v8, v17;
	_ =	sdelay $0x3  }
0x84: {  	[tilespmem:s24+$0x1C110] =	vst v18  }
0x85: {  	v18 =	vld.idx.msk [tilespmem:v62+s31+$0x0], $0xffff  }
0x86: {  	v17 =	vadd.s32 v9, v17;
	_ =	sdelay $0x3  }
0x87: {  	[tilespmem:s24+$0x1C120] =	vst v18  }
0x88: {  	v17 =	vld.idx.msk [tilespmem:v17+s31+$0x0], $0xffff  }
0x89: {  	v63 =	vmov s4  }
0x8a: {  	s2 =	sadd.s32 $0x1, s2  }
0x8b: {  	s2 =	sand.u32 $0x1F, s2  }
0x8c: {  	p2 =	sne.s32 s2, $0x0  }
0x8d: {  	s2 =	simm.s32 @!p2 $0x20;
	[tilespmem:s24+$0x1C130] =	vst v17  }
0x8e: {  	s4 =	simm.s32 @!p2 $0x1D100;
	s12 =	simm.s32 @!p2 $0x1C100;
	s13 =	simm.s32 @!p2 $0x1;
	[tilespmem:v63+s22+$0x0] =	vst.idx.msk $0x1, v16  }
0x8f: {  	[hbm4b:s7+s2] =	stream.indirect.scatter @!p2 [tilespmem:s12], [sflag:$0x1], $0x80, s4, s2, $0xb8;
	[tilespmem:$0x1F280] =	vst v63  }
0x90: {  	_ =	swait.ge @!p2 [sflag:s13], $0x1000  }
0x91: {  	v16 =	vlaneseq.u32 @!p2;
	[sflag:s13] =	ssyncset.done @!p2 $0x0  }
0x92: {  	v16 =	vor.u32 @!p2 $0x4000, v16;
	[sflag:s13] =	ssyncadd.s32 @!p2 $0xFFFFF000  }
0x93: {  	[tilespmem:$0x1D100] =	vst @!p2 v16  }
0x94: {  	s29 =	sadd.s32 s0, s29;
	[tilespmem:$0x1D110] =	vst @!p2 v16  }
.LBB2_15:
0x95: {  	s5 =	sadd.s32 $0x1, s5  }
0x96: {  	p2 =	seq.s32 s5, s28  }
.Ltmp7:
0x97: {  	_ = 	snop;
	(pc) =	sbr.rel @p2 .LBB2_4-.Ltmp7, $1  }
0x98: {  	_ =	sdelay $0x3  }
.LBB2_7:
0x99: {  	s0 =	sshll.u32 s5, $0x4  }
0x9a: {  	v16 =	vld [tilespmem:s0+$0x4000];
	_ =	sdelay $0x4  }
0x9b: {  	vm0 =	vge.s32 v16, v14;
	vm1 =	vlt.s32 v16, v15  }
0x9c: {  	vm0 =	vmand vm0, vm1  }
0x9d: {  	v17 =	vmpcnt.ones.xlane vm0;
	_ =	sdelay $0x1  }
0x9e: {  	(v2sf) =	vpush v17, $0x0;
	_ =	sdelay $0xe  }
0x9f: {  	s2 =	spop (v2sf)  }
0xa0: {  	p2 =	slt.s32 s2, $0x1  }
.Ltmp8:
0xa1: {  	_ = 	snop;
	(pc) =	sbr.rel @p2 .LBB2_15-.Ltmp8, $1  }
0xa2: {  	_ =	sdelay $0x3  }
0xa3: {  	v17 =	vld [tilespmem:s0+$0x8080];
	p3 =	sne.s32 s2, $0x1  }
.Ltmp9:
0xa4: {  	_ = 	snop;
	(pc) =	sbr.rel @!p3 .LBB2_9-.Ltmp9, $3  }
0xa5: {  	_ =	sdelay $0x1  }
0xa6: {  	[tilespmem:s20+$0x0] =	vst.msk vm0, v16;
	s13 =	simm.s32 $0x0  }
0xa7: {  	s4 =	simm.s32 $0x1;
	p2 =	por $0x0, $0x0;
	v16 =	vmov s13;
	[tilespmem:s21+$0x0] =	vst.msk vm0, v17  }
0xa8: {  	_ =	sdelay $0x3  }
0xa9: {  	v17 =	vld.idx.msk [tilespmem:v16+s20+$0x0], $0xffff;
	_ =	sdelay $0x4  }
0xaa: {  	v18 =	vsub.s32 v17, v14  }
0xab: {  	v18 =	vshll.u32 v18, $0x3  }
0xac: {  	v17 =	vand.u32 $0x7F, v17;
	v18 =	vand.u32 $0xFFFFFC00, v18  }
0xad: {  	v17 =	vor.u32 v17, v18  }
0xae: {  	v18 =	vadd.s32 v6, v17;
	_ =	sdelay $0x4  }
0xaf: {  	v18 =	vld.idx.msk [tilespmem:v18+s31+$0x0], $0xffff  }
0xb0: {  	v19 =	vadd.s32 v7, v17  }
0xb1: {  	s0 =	sadd.s32 $0x0, s29  }
0xb2: {  	s12 =	sand.u32 $0x1F, s0  }
0xb3: {  	s13 =	sshll.u32 s12, $0x7  }
0xb4: {  	v16 =	vld.idx.msk [tilespmem:v16+s21+$0x0], $0xffff;
	[tilespmem:s13+$0x1C100] =	vst v18  }
0xb5: {  	v18 =	vld.idx.msk [tilespmem:v19+s31+$0x0], $0xffff  }
0xb6: {  	v19 =	vadd.s32 v8, v17;
	_ =	sdelay $0x3  }
0xb7: {  	[tilespmem:s13+$0x1C110] =	vst v18  }
0xb8: {  	v18 =	vld.idx.msk [tilespmem:v19+s31+$0x0], $0xffff  }
0xb9: {  	v17 =	vadd.s32 v9, v17;
	_ =	sdelay $0x3  }
0xba: {  	[tilespmem:s13+$0x1C120] =	vst v18  }
0xbb: {  	v17 =	vld.idx.msk [tilespmem:v17+s31+$0x0], $0xffff  }
0xbc: {  	v18 =	vmov s12  }
0xbd: {  	s0 =	sadd.s32 $0x1, s0  }
0xbe: {  	s0 =	sand.u32 $0x1F, s0  }
0xbf: {  	p3 =	sne.s32 s2, $0x2;
	p4 =	sne.s32 s0, $0x0  }
.Ltmp10:
0xc0: {  	s0 =	simm.s32 @!p4 $0x20;
	[tilespmem:s13+$0x1C130] =	vst v17;
	(pc) =	sbr.rel @!p3 .LBB2_11-.Ltmp10, $4  }
0xc1: {  	s14 =	simm.s32 @!p4 $0x1C100;
	s12 =	simm.s32 @!p4 $0x1;
	s13 =	simm.s32 @!p4 $0x1D100;
	[tilespmem:v18+s22+$0x0] =	vst.idx.msk $0x1, v16  }
0xc2: {  	v16 =	vlaneseq.u32 @!p4;
	[hbm4b:s7+s0] =	stream.indirect.scatter @!p4 [tilespmem:s14], [sflag:$0x1], $0x80, s13, s0, $0xb8;
	[tilespmem:$0x1F280] =	vst v63  }
0xc3: {  	v17 =	vor.u32 @!p4 $0x4000, v16;
	v16 =	vmov s4;
	_ =	swait.ge @!p4 [sflag:s12], $0x1000  }
0xc4: {  	p2 =	por $0x1, $0x1;
	s0 =	simm.s32 $0x2;
	[sflag:s12] =	ssyncset.done @!p4 $0x0  }
.LBB2_12:
0xc5: {  	[sflag:s12] =	ssyncadd.s32 @!p4 $0xFFFFF000;
	s12 =	smov.u32 s0;
	s0 =	sadd.s32 $0x1, s0  }
0xc6: {  	p3 =	sne.s32 s2, s0;
	[tilespmem:$0x1D100] =	vst @!p4 v17  }
0xc7: {  	[tilespmem:$0x1D110] =	vst @!p4 v17  }
0xc8: {  	v17 =	vld.idx.msk [tilespmem:v16+s20+$0x0], $0xffff;
	_ =	sdelay $0x5  }
0xc9: {  	v18 =	vsub.s32 v17, v14  }
0xca: {  	v17 =	vand.u32 $0x7F, v17;
	v18 =	vshll.u32 v18, $0x3  }
0xcb: {  	v18 =	vand.u32 $0xFFFFFC00, v18  }
0xcc: {  	v17 =	vor.u32 v17, v18  }
0xcd: {  	v18 =	vadd.s32 v6, v17;
	_ =	sdelay $0x4  }
0xce: {  	v18 =	vld.idx.msk [tilespmem:v18+s31+$0x0], $0xffff  }
0xcf: {  	v19 =	vadd.s32 v7, v17  }
0xd0: {  	s13 =	sadd.s32 s4, s29;
	s4 =	smov.u32 s12  }
0xd1: {  	s12 =	sand.u32 $0x1F, s13;
	s13 =	sadd.s32 $0x1, s13  }
0xd2: {  	s14 =	sshll.u32 s12, $0x7;
	s13 =	sand.u32 $0x1F, s13;
	v16 =	vld.idx.msk [tilespmem:v16+s21+$0x0], $0xffff;
	_ =	sdelay $0x1  }
0xd3: {  	[tilespmem:s14+$0x1C100] =	vst v18  }
0xd4: {  	v18 =	vld.idx.msk [tilespmem:v19+s31+$0x0], $0xffff  }
0xd5: {  	v19 =	vadd.s32 v8, v17;
	_ =	sdelay $0x4  }
0xd6: {  	[tilespmem:s14+$0x1C110] =	vst v18  }
0xd7: {  	v18 =	vld.idx.msk [tilespmem:v19+s31+$0x0], $0xffff  }
0xd8: {  	v17 =	vadd.s32 v9, v17;
	_ =	sdelay $0x4  }
0xd9: {  	[tilespmem:s14+$0x1C120] =	vst v18  }
0xda: {  	v17 =	vld.idx.msk [tilespmem:v17+s31+$0x0], $0xffff  }
0xdb: {  	v18 =	vmov s12;
	_ =	sdelay $0x2  }
0xdc: {  	p4 =	sne.s32 s13, $0x0  }
0xdd: {  	s13 =	simm.s32 @!p4 $0x20  }
.Ltmp11:
0xde: {  	s24 =	simm.s32 @!p4 $0x1C100;
	[tilespmem:s14+$0x1C130] =	vst v17;
	s14 =	simm.s32 @!p4 $0x1D100;
	v17 =	vlaneseq.u32 @!p4;
	(pc) =	sbr.rel @p3 .LBB2_12-.Ltmp11, $4  }
0xdf: {  	s12 =	simm.s32 @!p4 $0x1;
	[tilespmem:v18+s22+$0x0] =	vst.idx.msk $0x1, v16;
	v17 =	vor.u32 @!p4 $0x4000, v17  }
0xe0: {  	v16 =	vmov s4;
	[hbm4b:s7+s13] =	stream.indirect.scatter @!p4 [tilespmem:s24], [sflag:$0x1], $0x80, s14, s13, $0xb8;
	[tilespmem:$0x1F280] =	vst v63  }
0xe1: {  	_ =	swait.ge @!p4 [sflag:s12], $0x1000  }
0xe2: {  	[sflag:s12] =	ssyncset.done @!p4 $0x0  }
.Ltmp12:
0xe3: {  	(pc) =	sbr.rel .LBB2_14-.Ltmp12, $2  }
0xe4: {  	_ =	sdelay $0x2  }
0xe5: {  	s13 =	smov.u32 s4  }
.LBB2_11:
.Ltmp13:
0xe6: {  	(pc) =	sbr.rel .LBB2_14-.Ltmp13, $2  }
0xe7: {  	_ =	sdelay $0x2  }
0xe8: {  	s13 =	simm.s32 $0x1  }
.LBB2_16:
0xe9: {  	s5 =	simm.s32 @!p0 $0x0  }
0xea: {  	s0 =	simm.s32 @!p0 $0x1D280;
	s2 =	rddreg [dreg:$0x2];
	p1 =	slt.s32 @!p0 s28, $0x1  }
0xeb: {  	[tilespmem:s0], [sflag:$0x3] =	stream.linear.gather @!p0 [hbm4b:s2+s5], $0x2000, $0x38;
	[tilespmem:$0x1F280] =	vst v63  }
0xec: {  	p1 =	por p0, p1  }
.Ltmp14:
0xed: {  	_ = 	snop;
	(pc) =	sbr.rel @!p1 .LBB2_17-.Ltmp14, $4  }
.Ltmp15:
0xee: {  	s0 =	simm.s32 @!p0 $0x3;
	(pc) =	sbr.rel @p1 .LBB2_26-.Ltmp15, $4  }
0xef: {  	_ =	swait.ge @!p0 [sflag:s0], $0x2000  }
0xf0: {  	[sflag:s0] =	ssyncset.done @!p0 $0x0  }
0xf1: {  	[sflag:s0] =	ssyncadd.s32 @!p0 $0xFFFFE000  }
0xf2: {  	_ = 	snop  }
.LBB2_19:
0xf3: {  	s0 =	simm.s32 $0x1  }
.LBB2_24:
0xf4: {  	p1 =	por p3, !p1  }
0xf5: {  	[sflag:s12] =	ssyncadd.s32 @!p1 $0xFFFFF000  }
0xf6: {  	[tilespmem:$0x1D100] =	vst @!p1 v15  }
0xf7: {  	[tilespmem:$0x1D110] =	vst @!p1 v15  }
0xf8: {  	v15 =	vld.idx.msk [tilespmem:v14+s20+$0x0], $0xffff;
	_ =	sdelay $0x4  }
0xf9: {  	v16 =	vadd.s32 v10, v15;
	_ =	sdelay $0x4  }
0xfa: {  	v16 =	vld.idx.msk [tilespmem:v16+s23+$0x0], $0xffff  }
0xfb: {  	v17 =	vadd.s32 v11, v15  }
0xfc: {  	s2 =	sadd.s32 s13, s29  }
0xfd: {  	s4 =	sand.u32 $0x1F, s2  }
0xfe: {  	s31 =	sshll.u32 s4, $0x7  }
0xff: {  	v14 =	vld.idx.msk [tilespmem:v14+s21+$0x0], $0xffff;
	[tilespmem:s31+$0x1C100] =	vst v16  }
0x100: {  	v16 =	vld.idx.msk [tilespmem:v17+s23+$0x0], $0xffff  }
0x101: {  	v62 =	vadd.s32 v12, v15;
	_ =	sdelay $0x3  }
0x102: {  	[tilespmem:s31+$0x1C110] =	vst v16  }
0x103: {  	v16 =	vld.idx.msk [tilespmem:v62+s23+$0x0], $0xffff  }
0x104: {  	v15 =	vadd.s32 v13, v15;
	_ =	sdelay $0x3  }
0x105: {  	[tilespmem:s31+$0x1C120] =	vst v16  }
0x106: {  	v15 =	vld.idx.msk [tilespmem:v15+s23+$0x0], $0xffff  }
0x107: {  	v63 =	vmov s4  }
0x108: {  	s2 =	sadd.s32 $0x1, s2  }
0x109: {  	s2 =	sand.u32 $0x1F, s2  }
0x10a: {  	p1 =	sne.s32 s2, $0x0  }
0x10b: {  	s2 =	simm.s32 @!p1 $0x20;
	[tilespmem:s31+$0x1C130] =	vst v15  }
0x10c: {  	s4 =	simm.s32 @!p1 $0x1D100;
	s12 =	simm.s32 @!p1 $0x1C100;
	s13 =	simm.s32 @!p1 $0x1;
	[tilespmem:v63+s22+$0x0] =	vst.idx.msk $0x1, v14  }
0x10d: {  	[hbm4b:s7+s2] =	stream.indirect.scatter @!p1 [tilespmem:s12], [sflag:$0x1], $0x80, s4, s2, $0xb8;
	[tilespmem:$0x1F280] =	vst v63  }
0x10e: {  	_ =	swait.ge @!p1 [sflag:s13], $0x1000  }
0x10f: {  	v14 =	vlaneseq.u32 @!p1;
	[sflag:s13] =	ssyncset.done @!p1 $0x0  }
0x110: {  	v14 =	vor.u32 @!p1 $0x4000, v14;
	[sflag:s13] =	ssyncadd.s32 @!p1 $0xFFFFF000  }
0x111: {  	[tilespmem:$0x1D100] =	vst @!p1 v14  }
0x112: {  	s29 =	sadd.s32 s0, s29;
	[tilespmem:$0x1D110] =	vst @!p1 v14  }
.LBB2_25:
0x113: {  	s5 =	sadd.s32 $0x1, s5  }
0x114: {  	p1 =	sne.s32 s5, s28  }
.Ltmp16:
0x115: {  	_ = 	snop;
	(pc) =	sbr.rel @!p1 .LBB2_26-.Ltmp16, $1  }
0x116: {  	_ =	sdelay $0x3  }
.LBB2_17:
0x117: {  	s0 =	sshll.u32 s5, $0x4  }
0x118: {  	v14 =	vld [tilespmem:s0+$0x4000];
	_ =	sdelay $0x4  }
0x119: {  	v15 =	vand.u32 $0xFFFFFE00, v14  }
0x11a: {  	vm0 =	veq.s32 v15, $0xF4200  }
0x11b: {  	v15 =	vmpcnt.ones.xlane vm0;
	_ =	sdelay $0x1  }
0x11c: {  	(v2sf) =	vpush v15, $0x0;
	_ =	sdelay $0xe  }
0x11d: {  	s2 =	spop (v2sf)  }
0x11e: {  	p1 =	slt.s32 s2, $0x1  }
.Ltmp17:
0x11f: {  	_ = 	snop;
	(pc) =	sbr.rel @p1 .LBB2_25-.Ltmp17, $1  }
0x120: {  	_ =	sdelay $0x3  }
0x121: {  	v15 =	vld [tilespmem:s0+$0x8080];
	p2 =	sne.s32 s2, $0x1  }
.Ltmp18:
0x122: {  	_ = 	snop;
	(pc) =	sbr.rel @!p2 .LBB2_19-.Ltmp18, $3  }
0x123: {  	_ =	sdelay $0x1  }
0x124: {  	[tilespmem:s20+$0x0] =	vst.msk vm0, v14;
	s13 =	simm.s32 $0x0  }
0x125: {  	s4 =	simm.s32 $0x1;
	p1 =	por $0x0, $0x0;
	v14 =	vmov s13;
	[tilespmem:s21+$0x0] =	vst.msk vm0, v15  }
0x126: {  	_ =	sdelay $0x3  }
0x127: {  	v15 =	vld.idx.msk [tilespmem:v14+s20+$0x0], $0xffff;
	_ =	sdelay $0x4  }
0x128: {  	v16 =	vadd.s32 v10, v15;
	_ =	sdelay $0x4  }
0x129: {  	v16 =	vld.idx.msk [tilespmem:v16+s23+$0x0], $0xffff  }
0x12a: {  	v17 =	vadd.s32 v11, v15  }
0x12b: {  	s0 =	sadd.s32 $0x0, s29  }
0x12c: {  	s12 =	sand.u32 $0x1F, s0  }
0x12d: {  	s13 =	sshll.u32 s12, $0x7  }
0x12e: {  	v14 =	vld.idx.msk [tilespmem:v14+s21+$0x0], $0xffff;
	[tilespmem:s13+$0x1C100] =	vst v16  }
0x12f: {  	v16 =	vld.idx.msk [tilespmem:v17+s23+$0x0], $0xffff  }
0x130: {  	v17 =	vadd.s32 v12, v15;
	_ =	sdelay $0x3  }
0x131: {  	[tilespmem:s13+$0x1C110] =	vst v16  }
0x132: {  	v16 =	vld.idx.msk [tilespmem:v17+s23+$0x0], $0xffff  }
0x133: {  	v15 =	vadd.s32 v13, v15;
	_ =	sdelay $0x3  }
0x134: {  	[tilespmem:s13+$0x1C120] =	vst v16  }
0x135: {  	v15 =	vld.idx.msk [tilespmem:v15+s23+$0x0], $0xffff  }
0x136: {  	v16 =	vmov s12  }
0x137: {  	s0 =	sadd.s32 $0x1, s0  }
0x138: {  	s0 =	sand.u32 $0x1F, s0  }
0x139: {  	p2 =	sne.s32 s2, $0x2;
	p3 =	sne.s32 s0, $0x0  }
.Ltmp19:
0x13a: {  	s0 =	simm.s32 @!p3 $0x20;
	[tilespmem:s13+$0x1C130] =	vst v15;
	(pc) =	sbr.rel @!p2 .LBB2_21-.Ltmp19, $4  }
0x13b: {  	s14 =	simm.s32 @!p3 $0x1C100;
	s12 =	simm.s32 @!p3 $0x1;
	s13 =	simm.s32 @!p3 $0x1D100;
	[tilespmem:v16+s22+$0x0] =	vst.idx.msk $0x1, v14  }
0x13c: {  	v14 =	vlaneseq.u32 @!p3;
	[hbm4b:s7+s0] =	stream.indirect.scatter @!p3 [tilespmem:s14], [sflag:$0x1], $0x80, s13, s0, $0xb8;
	[tilespmem:$0x1F280] =	vst v63  }
0x13d: {  	v15 =	vor.u32 @!p3 $0x4000, v14;
	v14 =	vmov s4;
	_ =	swait.ge @!p3 [sflag:s12], $0x1000  }
0x13e: {  	p1 =	por $0x1, $0x1;
	s0 =	simm.s32 $0x2;
	[sflag:s12] =	ssyncset.done @!p3 $0x0  }
.LBB2_22:
0x13f: {  	[sflag:s12] =	ssyncadd.s32 @!p3 $0xFFFFF000;
	s12 =	smov.u32 s0;
	s0 =	sadd.s32 $0x1, s0  }
0x140: {  	p2 =	sne.s32 s2, s0;
	[tilespmem:$0x1D100] =	vst @!p3 v15  }
0x141: {  	[tilespmem:$0x1D110] =	vst @!p3 v15  }
0x142: {  	v15 =	vld.idx.msk [tilespmem:v14+s20+$0x0], $0xffff;
	_ =	sdelay $0x5  }
0x143: {  	v16 =	vadd.s32 v10, v15;
	_ =	sdelay $0x4  }
0x144: {  	v16 =	vld.idx.msk [tilespmem:v16+s23+$0x0], $0xffff  }
0x145: {  	v17 =	vadd.s32 v11, v15  }
0x146: {  	s13 =	sadd.s32 s4, s29;
	s4 =	smov.u32 s12  }
0x147: {  	s12 =	sand.u32 $0x1F, s13;
	s13 =	sadd.s32 $0x1, s13  }
0x148: {  	s14 =	sshll.u32 s12, $0x7;
	s13 =	sand.u32 $0x1F, s13;
	v14 =	vld.idx.msk [tilespmem:v14+s21+$0x0], $0xffff;
	_ =	sdelay $0x1  }
0x149: {  	[tilespmem:s14+$0x1C100] =	vst v16  }
0x14a: {  	v16 =	vld.idx.msk [tilespmem:v17+s23+$0x0], $0xffff  }
0x14b: {  	v17 =	vadd.s32 v12, v15;
	_ =	sdelay $0x4  }
0x14c: {  	[tilespmem:s14+$0x1C110] =	vst v16  }
0x14d: {  	v16 =	vld.idx.msk [tilespmem:v17+s23+$0x0], $0xffff  }
0x14e: {  	v15 =	vadd.s32 v13, v15;
	_ =	sdelay $0x4  }
0x14f: {  	[tilespmem:s14+$0x1C120] =	vst v16  }
0x150: {  	v15 =	vld.idx.msk [tilespmem:v15+s23+$0x0], $0xffff  }
0x151: {  	v16 =	vmov s12;
	_ =	sdelay $0x2  }
0x152: {  	p3 =	sne.s32 s13, $0x0  }
0x153: {  	s13 =	simm.s32 @!p3 $0x20  }
.Ltmp20:
0x154: {  	s24 =	simm.s32 @!p3 $0x1C100;
	[tilespmem:s14+$0x1C130] =	vst v15;
	s14 =	simm.s32 @!p3 $0x1D100;
	v15 =	vlaneseq.u32 @!p3;
	(pc) =	sbr.rel @p2 .LBB2_22-.Ltmp20, $4  }
0x155: {  	s12 =	simm.s32 @!p3 $0x1;
	[tilespmem:v16+s22+$0x0] =	vst.idx.msk $0x1, v14;
	v15 =	vor.u32 @!p3 $0x4000, v15  }
0x156: {  	v14 =	vmov s4;
	[hbm4b:s7+s13] =	stream.indirect.scatter @!p3 [tilespmem:s24], [sflag:$0x1], $0x80, s14, s13, $0xb8;
	[tilespmem:$0x1F280] =	vst v63  }
0x157: {  	_ =	swait.ge @!p3 [sflag:s12], $0x1000  }
0x158: {  	[sflag:s12] =	ssyncset.done @!p3 $0x0  }
.Ltmp21:
0x159: {  	(pc) =	sbr.rel .LBB2_24-.Ltmp21, $2  }
0x15a: {  	_ =	sdelay $0x2  }
0x15b: {  	s13 =	smov.u32 s4  }
.LBB2_21:
.Ltmp22:
0x15c: {  	(pc) =	sbr.rel .LBB2_24-.Ltmp22, $2  }
0x15d: {  	_ =	sdelay $0x2  }
0x15e: {  	s13 =	simm.s32 $0x1  }
.LBB2_27:
0x15f: {  	_ =	sfence.sel $0x180000  }
0x160: {  	[bflag:$0x0] =	sbarrier.arrive $0xFFFF  }
0x161: {  	_ =	strace $0x90000047  }
0x162: {  	s0 =	stileid.u32;
	[bflag:$0x2] =	sbarrier.arrive $0xFFFF  }
0x163: {  	p0 =	sne.s32 s0, $0x0;
	s0 =	rddreg [dreg:$0x4]  }
0x164: {  	s0 =	sadd.s32 @!p0 $0x100000, s0  }
0x165: {  	[sflag:s0] =	ssyncadd.tile.s32 @!p0 $0x1;
	_ =	shalt  }
.Lfunc_end2:
_tile_overlayer_lowered:
.L_overlay_start_2:
0x166: {  	(tag) =	ssettag $0x2  }
0x167: {  	s0 =	rddreg [dreg:$0x0];
	s2 =	stileid.u32  }
0x168: {  	s1 =	rddreg [dreg:$0x1];
	p0 =	sne.s32 s2, $0x0  }
0x169: {  	s3 =	rddreg [dreg:$0x2];
	[bflag:$0x3] =	sbarrier.arrive $0xFFFF;
	s2 =	simm.s32 @!p0 $0x1C03  }
0x16a: {  	[timem:s3], [sflag:s2] =	dma.local @!p0 [hbm:s0], s1  }
0x16b: {  	s0 =	simm.s32 @!p0 $0x3  }
0x16c: {  	_ =	swait.ge @!p0 [sflag:s0], s1  }
0x16d: {  	s1 =	ssub.s32 @!p0 $0x0, s1;
	[sflag:s0] =	ssyncset.done @!p0 $0x0  }
0x16e: {  	[sflag:s0] =	ssyncadd.s32 @!p0 s1  }
0x16f: {  	[bflag:$0x3] =	sbarrier.arrive $0xFFFF  }
0x170: {  	_ =	shalt  }

</sc_bundles>
